<compile_context>
chip_gen: v7x
topology: tpu7x:2x2x1
jax: 0.10.2.dev20260603
libtpu: 0.0.44.dev20260713+nightly
codegen_flags: <defaults>
</compile_context>

<pallas_src>
import functools

import jax
import jax.numpy as jnp
from jax import lax
from jax.experimental import pallas as pl
from jax.experimental.pallas import tpu as pltpu
from jax.experimental.pallas import tpu_sc as plsc

K = 16
B_Q = 400
C_T = 512
BIG_F = 1.0e9



def _knn_body(bounds_ref, qf_ref, cand_ref, nbr_ref):
    i = pl.program_id(0)
    t0 = bounds_ref[i, 0]
    t1 = bounds_ref[i, 1]
    qx = qf_ref[:, 0:1]
    qy = qf_ref[:, 1:2]
    qz = qf_ref[:, 2:3]
    qb = qf_ref[:, 3:4]
    B = qf_ref.shape[0]

    def tile_step(t, carry):
        bd, bi = carry
        cand = cand_ref[t]
        cx = cand[0:1, :]
        cy = cand[1:2, :]
        cz = cand[2:3, :]
        cb = cand[3:4, :]
        dx = qx - cx
        dy = qy - cy
        dz = qz - cz
        d = (dx * dx + dy * dy) + dz * dz
        d = jnp.where(qb == cb, d, jnp.inf)
        colg = (lax.broadcasted_iota(jnp.int32, (B, C_T), 1).astype(jnp.float32)
                + t.astype(jnp.float32) * float(C_T))
        cd = jnp.concatenate([bd, d], axis=1)
        ci = jnp.concatenate([bi, colg], axis=1)
        nds, nis = [], []
        for _ in range(K):
            dmin = jnp.min(cd, axis=1, keepdims=True)
            imin = jnp.min(jnp.where(cd == dmin, ci, BIG_F), axis=1,
                           keepdims=True)
            nds.append(dmin)
            nis.append(imin)
            cd = jnp.where(ci == imin, jnp.inf, cd)
        return jnp.concatenate(nds, axis=1), jnp.concatenate(nis, axis=1)

    bd0 = jnp.full((B, K), jnp.inf, jnp.float32)
    bi0 = jnp.full((B, K), BIG_F, jnp.float32)
    _, bi = lax.fori_loop(t0, t1, tile_step, (bd0, bi0))
    n_total = nbr_ref.shape[0] * pl.num_programs(0)
    nbr_ref[...] = jnp.clip(bi.astype(jnp.int32), 0, n_total - 1)


def _knn(qfeat, cand3, bounds, n):
    nblocks = n // B_Q
    nt = cand3.shape[0]
    grid_spec = pltpu.PrefetchScalarGridSpec(
        num_scalar_prefetch=1,
        grid=(nblocks,),
        in_specs=[
            pl.BlockSpec((B_Q, 8), lambda i, b: (i, 0)),
            pl.BlockSpec((nt, 8, C_T), lambda i, b: (0, 0, 0)),
        ],
        out_specs=pl.BlockSpec((B_Q, K), lambda i, b: (i, 0)),
    )
    return pl.pallas_call(
        _knn_body,
        grid_spec=grid_spec,
        out_shape=jax.ShapeDtypeStruct((n, K), jnp.int32),
    )(bounds, qfeat, cand3)



def _make_sc_gather(kn, n_rows, d, chunk):
    info = plsc.get_sparse_core_info()
    nw = info.num_cores * info.num_subcores
    per_w = kn // nw
    ni = per_w // chunk
    assert per_w % chunk == 0 and chunk % 8 == 0 and ni % 2 == 1 and ni >= 3
    mesh = plsc.VectorSubcoreMesh(core_axis_name="c", subcore_axis_name="s")

    @functools.partial(
        pl.kernel,
        mesh=mesh,
        out_type=jax.ShapeDtypeStruct((kn, d), jnp.float32),
        scratch_types=[
            pltpu.VMEM((2, chunk), jnp.int32),
            pltpu.VMEM((2, chunk, d), jnp.float32),
            pltpu.SemaphoreType.DMA,
            pltpu.SemaphoreType.DMA,
        ],
        compiler_params=pltpu.CompilerParams(use_tc_tiling_on_sc=False),
    )
    def gather_k(idx_hbm, table_hbm, out_hbm, idx_v, rows_v, sem0, sem1):
        wid = lax.axis_index("s") * info.num_cores + lax.axis_index("c")
        base = wid * per_w
        sems = (sem0, sem1)

        def fetch_and_start(g, buf):
            pltpu.sync_copy(idx_hbm.at[pl.ds(base + g * chunk, chunk)],
                            idx_v.at[buf])
            pltpu.async_copy(table_hbm.at[idx_v.at[buf]], rows_v.at[buf],
                             sems[buf])

        def finish(g, buf):
            pltpu.make_async_copy(table_hbm.at[idx_v.at[buf]],
                                  rows_v.at[buf], sems[buf]).wait()
            pltpu.sync_copy(rows_v.at[buf],
                            out_hbm.at[pl.ds(base + g * chunk, chunk)])

        fetch_and_start(0, 0)

        def pair(p, carry):
            g = 2 * p
            fetch_and_start(g + 1, 1)
            finish(g, 0)
            fetch_and_start(g + 2, 0)
            finish(g + 1, 1)
            return carry

        lax.fori_loop(0, (ni - 1) // 2, pair, 0)
        finish(ni - 1, 0)

    return gather_k



def _conv1_body(pj_ref, qf_ref, wsum_ref, wbot_ref, b1a_ref, w1b_ref,
                b1b_ref, h_ref):
    B = qf_ref.shape[0]
    pj = pj_ref[...].reshape(K * B, 16)
    a = jnp.dot(pj, wsum_ref[...], preferred_element_type=jnp.float32)
    c = jnp.dot(qf_ref[...], wbot_ref[...], preferred_element_type=jnp.float32)
    c = c - b1a_ref[0:1, :]
    m = jnp.maximum(a.reshape(K, B, 32) - c[None, :, :], 0.0)
    m = jnp.dot(m.reshape(K * B, 32), w1b_ref[...],
                preferred_element_type=jnp.float32)
    m = m.reshape(K, B, 32)
    r = m[0]
    for k in range(1, K):
        r = jnp.maximum(r, m[k])
    h_ref[...] = jnp.maximum(r + b1b_ref[0:1, :], 0.0)


def _conv2_body(hj_ref, pj_ref, qf_ref, wh_ref, wp16_ref, wp8_ref, b2a_ref,
                w2b_ref, b2b_ref, o_ref):
    B = qf_ref.shape[0]
    hj = hj_ref[...].reshape(K * B, 32)
    pj = pj_ref[...].reshape(K * B, 16)
    a = jnp.dot(hj, wh_ref[...], preferred_element_type=jnp.float32)
    a = a + jnp.dot(pj, wp16_ref[...], preferred_element_type=jnp.float32)
    c = jnp.dot(qf_ref[...], wp8_ref[...], preferred_element_type=jnp.float32)
    c = c - b2a_ref[0:1, :]
    m = jnp.maximum(a.reshape(K, B, 32) - c[None, :, :], 0.0)
    m = jnp.dot(m.reshape(K * B, 32), w2b_ref[...],
                preferred_element_type=jnp.float32)
    m = m.reshape(K, B, 32)
    r = m[0]
    for k in range(1, K):
        r = jnp.maximum(r, m[k])
    o_ref[...] = r + b2b_ref[0:1, :]


def _conv1(pjg, qfeat, wsum, wbot, b1a8, w1b, b1b8, n):
    nblocks = n // B_Q
    return pl.pallas_call(
        _conv1_body,
        grid=(nblocks,),
        in_specs=[
            pl.BlockSpec((K, B_Q, 16), lambda i: (0, i, 0)),
            pl.BlockSpec((B_Q, 8), lambda i: (i, 0)),
            pl.BlockSpec((16, 32), lambda i: (0, 0)),
            pl.BlockSpec((8, 32), lambda i: (0, 0)),
            pl.BlockSpec((8, 32), lambda i: (0, 0)),
            pl.BlockSpec((32, 32), lambda i: (0, 0)),
            pl.BlockSpec((8, 32), lambda i: (0, 0)),
        ],
        out_specs=pl.BlockSpec((B_Q, 32), lambda i: (i, 0)),
        out_shape=jax.ShapeDtypeStruct((n, 32), jnp.float32),
    )(pjg, qfeat, wsum, wbot, b1a8, w1b, b1b8)


def _conv2(hjg, pjg, qfeat, wh, wp16, wp8, b2a8, w2b, b2b8, n):
    nblocks = n // B_Q
    return pl.pallas_call(
        _conv2_body,
        grid=(nblocks,),
        in_specs=[
            pl.BlockSpec((K, B_Q, 32), lambda i: (0, i, 0)),
            pl.BlockSpec((K, B_Q, 16), lambda i: (0, i, 0)),
            pl.BlockSpec((B_Q, 8), lambda i: (i, 0)),
            pl.BlockSpec((32, 32), lambda i: (0, 0)),
            pl.BlockSpec((16, 32), lambda i: (0, 0)),
            pl.BlockSpec((8, 32), lambda i: (0, 0)),
            pl.BlockSpec((8, 32), lambda i: (0, 0)),
            pl.BlockSpec((32, 32), lambda i: (0, 0)),
            pl.BlockSpec((8, 32), lambda i: (0, 0)),
        ],
        out_specs=pl.BlockSpec((B_Q, 32), lambda i: (i, 0)),
        out_shape=jax.ShapeDtypeStruct((n, 32), jnp.float32),
    )(hjg, pjg, qfeat, wh, wp16, wp8, b2a8, w2b, b2b8)



def _pad_rows(w, rows):
    return jnp.concatenate(
        [w, jnp.zeros((rows - w.shape[0], w.shape[1]), w.dtype)], axis=0)


def kernel(pos, batch, W1a, b1a, W1b, b1b, W2a, b2a, W2b, b2b):
    n = pos.shape[0]
    batch_i = batch.astype(jnp.int32)
    batchf = batch_i.astype(jnp.float32)

    qfeat = jnp.concatenate(
        [pos, batchf[:, None], jnp.zeros((n, 4), jnp.float32)], axis=1)

    n_pad = ((n + C_T - 1) // C_T) * C_T
    cand = jnp.concatenate(
        [pos.T, batchf[None, :], jnp.zeros((4, n), jnp.float32)], axis=0)
    pad_col = jnp.zeros((8, n_pad - n), jnp.float32).at[3, :].set(-1.0)
    cand = jnp.concatenate([cand, pad_col], axis=1)
    cand3 = cand.reshape(8, n_pad // C_T, C_T).transpose(1, 0, 2)

    b_first = batch_i[::B_Q]
    b_last = batch_i[B_Q - 1::B_Q]
    start = jnp.searchsorted(batch_i, b_first, side="left")
    end = jnp.searchsorted(batch_i, b_last, side="right")
    bounds = jnp.stack(
        [start // C_T, (end + C_T - 1) // C_T], axis=1).astype(jnp.int32)

    nbr = _knn(qfeat, cand3, bounds, n)
    idx_flat = nbr.T.reshape(-1)

    pos16 = jnp.concatenate([pos, jnp.zeros((n, 13), jnp.float32)], axis=1)
    gather_pos = _make_sc_gather(K * n, n, 16, 1000)
    pjg = gather_pos(idx_flat, pos16).reshape(K, n, 16)

    wsum = _pad_rows(W1a[0:3] + W1a[3:6], 16)
    wbot = _pad_rows(W1a[3:6], 8)
    b1a8 = jnp.broadcast_to(b1a[None, :], (8, 32))
    b1b8 = jnp.broadcast_to(b1b[None, :], (8, 32))
    h = _conv1(pjg, qfeat, wsum, wbot, b1a8, W1b, b1b8, n)

    gather_h = _make_sc_gather(K * n, n, 32, 1000)
    hjg = gather_h(idx_flat, h).reshape(K, n, 32)

    wh = W2a[0:32]
    wp16 = _pad_rows(W2a[32:35], 16)
    wp8 = _pad_rows(W2a[32:35], 8)
    b2a8 = jnp.broadcast_to(b2a[None, :], (8, 32))
    b2b8 = jnp.broadcast_to(b2b[None, :], (8, 32))
    return _conv2(hjg, pjg, qfeat, wh, wp16, wp8, b2a8, W2b, b2b8, n)

# --- scband reference (transcript-rebuilt; emitter-appended) ---
"""Pipeline reference for scband-point-net-encoder-25529285607669 (READ-ONLY COPY).

The authoritative reference and input builder live on the scoring server;
editing this copy changes nothing except your own understanding.
"""

import jax, jax.numpy as jnp
import numpy as np

K = 16
CHUNK = 1000


def _knn_idx(pos, batch, k):
    # kNN graph within each batch segment, loop=True (self included since d(i,i)=0).
    N = pos.shape[0]
    nchunks = N // CHUNK
    pos_c = pos.reshape(nchunks, CHUNK, pos.shape[1])
    batch_c = batch.reshape(nchunks, CHUNK)

    def f(args):
        qp, qb = args
        d = jnp.sum((qp[:, None, :] - pos[None, :, :]) ** 2, axis=-1)
        d = jnp.where(qb[:, None] != batch[None, :], jnp.inf, d)
        _, idx = jax.lax.top_k(-d, k)
        return idx

    idx = jax.lax.map(f, (pos_c, batch_c))
    return idx.reshape(N, k)


def setup_inputs(seed: int = 0) -> dict:
    key = jax.random.key(seed)
    ks = jax.random.split(key, 12)
    N = 50000
    pos = jax.random.normal(ks[0], (N, 3), dtype=jnp.float32)
    batch = jnp.sort(jax.random.randint(ks[1], (N,), 0, 100)).astype(jnp.int64)
    # conv1.mlp: Linear(3+3 -> 32), ReLU, Linear(32 -> 32)
    W1a = jax.random.normal(ks[2], (6, 32), dtype=jnp.float32) * 0.2
    b1a = jax.random.normal(ks[3], (32,), dtype=jnp.float32) * 0.05
    W1b = jax.random.normal(ks[4], (32, 32), dtype=jnp.float32) * 0.1
    b1b = jax.random.normal(ks[5], (32,), dtype=jnp.float32) * 0.05
    # conv2.mlp: Linear(32+3 -> 32), ReLU, Linear(32 -> 32)
    W2a = jax.random.normal(ks[6], (35, 32), dtype=jnp.float32) * 0.15
    b2a = jax.random.normal(ks[7], (32,), dtype=jnp.float32) * 0.05
    W2b = jax.random.normal(ks[8], (32, 32), dtype=jnp.float32) * 0.1
    b2b = jax.random.normal(ks[9], (32,), dtype=jnp.float32) * 0.05
    return {"pos": pos, "batch": batch, "W1a": W1a, "b1a": b1a, "W1b": W1b, "b1b": b1b, "W2a": W2a, "b2a": b2a, "W2b": W2b, "b2b": b2b}


def reference(pos, batch, W1a, b1a, W1b, b1b, W2a, b2a, W2b, b2b):
    nbr = _knn_idx(pos, batch, K)  # [N, K] neighbor (source) indices per target node
    rel = pos[nbr] - pos[:, None, :]  # pos_j - pos_i, [N, K, 3]
    # conv1: h = pos
    m = jnp.concatenate([pos[nbr], rel], axis=-1)  # [N, K, 6]
    m = jax.nn.relu(m @ W1a + b1a) @ W1b + b1b
    h = jnp.max(m, axis=1)  # aggr='max'
    h = jax.nn.relu(h)
    # conv2
    m2 = jnp.concatenate([h[nbr], rel], axis=-1)  # [N, K, 35]
    m2 = jax.nn.relu(m2 @ W2a + b2a) @ W2b + b2b
    out = jnp.max(m2, axis=1)
    return out

if __name__ == "__main__":
    import jax
    _d = setup_inputs()
    print(jax.jit(kernel)(*tuple(_d.values())))

</pallas_src>

<mosaic_0001>
#map = affine_map<(d0, d1) -> (0)>
#map1 = affine_map<(d0, d1) -> (0, 0)>
module attributes {stable_mosaic.version = 14 : i64} {
  func.func @gather_k(%arg0: i32, %arg1: i32, %arg2: memref<800000xi32, #tpu.memory_space<hbm>>, %arg3: memref<50000x16xf32, #tpu.memory_space<hbm>>, %arg4: memref<800000x16xf32, #tpu.memory_space<hbm>>, %arg5: memref<2x1000xi32, #tpu.memory_space<vmem>>, %arg6: memref<2x1000x16xf32, #tpu.memory_space<vmem>>, %arg7: memref<!tpu.dma_semaphore, #tpu.memory_space<semaphore_mem>>, %arg8: memref<!tpu.dma_semaphore, #tpu.memory_space<semaphore_mem>>) attributes {dimension_semantics = [#tpu.dimension_semantics<core_parallel>, #tpu.dimension_semantics<subcore_parallel>], iteration_bounds = array<i64: 2, 16>, scalar_prefetch = 0 : i64, scratch_operands = 4 : i64, tpu.core_type = #tpu.core_type<sc_vector_subcore>, window_params = [{transform_indices = #map}, {transform_indices = #map1}, {transform_indices = #map1}]} {
    %mul3A = arith.constant 2 : i32
    %mul3A_0 = arith.muli %arg1, %mul3A : i32
    %add3A = arith.addi %mul3A_0, %arg0 : i32
    %mul3A_1 = arith.constant 25000 : i32
    %mul3A_2 = arith.muli %add3A, %mul3A_1 : i32
    %add3A_3 = arith.constant 0 : i32
    %add3A_4 = arith.addi %mul3A_2, %add3A_3 : i32
    %run_scoped3A = arith.constant 0 : i32
    "tpu.region"() ({
      %run_scoped3A_35 = tpu.sem_alloc : memref<!tpu.dma_semaphore, #tpu.memory_space<semaphore_mem>>
      %dma_start3A_36 = arith.constant 0 : i32
      %dma_start3A_37 = tpu.memref_slice %arg5[%run_scoped3A, %dma_start3A_36] : memref<2x1000xi32, #tpu.memory_space<vmem>> -> memref<1x1000xi32, #tpu.memory_space<vmem>>
      %dma_start3A_38 = tpu.memref_squeeze %dma_start3A_37 : memref<1x1000xi32, #tpu.memory_space<vmem>> -> memref<1000xi32, #tpu.memory_space<vmem>>
      %dma_start3A_39 = tpu.memref_slice %arg2[%add3A_4] : memref<800000xi32, #tpu.memory_space<hbm>> -> memref<1000xi32, #tpu.memory_space<hbm>>
      %dma_start3A_40 = arith.constant 0 : i32
      %dma_start3A_41 = tpu.memref_slice %arg5[%run_scoped3A, %dma_start3A_40] : memref<2x1000xi32, #tpu.memory_space<vmem>> -> memref<1x1000xi32, #tpu.memory_space<vmem>>
      %dma_start3A_42 = tpu.memref_squeeze %dma_start3A_41 : memref<1x1000xi32, #tpu.memory_space<vmem>> -> memref<1000xi32, #tpu.memory_space<vmem>>
      %dma_start3A_43 = tpu.memref_slice %arg2[%add3A_4] : memref<800000xi32, #tpu.memory_space<hbm>> -> memref<1000xi32, #tpu.memory_space<hbm>>
      tpu.enqueue_dma source(%dma_start3A_43 : memref<1000xi32, #tpu.memory_space<hbm>>) target(%dma_start3A_42 : memref<1000xi32, #tpu.memory_space<vmem>>) target_semaphore(%run_scoped3A_35 : memref<!tpu.dma_semaphore, #tpu.memory_space<semaphore_mem>>)
      %dma_wait3A_44 = arith.constant 0 : i32
      %dma_wait3A_45 = tpu.memref_slice %arg5[%run_scoped3A, %dma_wait3A_44] : memref<2x1000xi32, #tpu.memory_space<vmem>> -> memref<1x1000xi32, #tpu.memory_space<vmem>>
      %dma_wait3A_46 = tpu.memref_squeeze %dma_wait3A_45 : memref<1x1000xi32, #tpu.memory_space<vmem>> -> memref<1000xi32, #tpu.memory_space<vmem>>
      %dma_wait3A_47 = tpu.memref_slice %arg2[%add3A_4] : memref<800000xi32, #tpu.memory_space<hbm>> -> memref<1000xi32, #tpu.memory_space<hbm>>
      %dma_wait3A_48 = arith.constant 0 : i32
      %dma_wait3A_49 = tpu.memref_slice %arg5[%run_scoped3A, %dma_wait3A_48] : memref<2x1000xi32, #tpu.memory_space<vmem>> -> memref<1x1000xi32, #tpu.memory_space<vmem>>
      %dma_wait3A_50 = tpu.memref_squeeze %dma_wait3A_49 : memref<1x1000xi32, #tpu.memory_space<vmem>> -> memref<1000xi32, #tpu.memory_space<vmem>>
      %dma_wait3A_51 = tpu.memref_slice %arg2[%add3A_4] : memref<800000xi32, #tpu.memory_space<hbm>> -> memref<1000xi32, #tpu.memory_space<hbm>>
      tpu.wait_dma2 semaphore(%run_scoped3A_35 : memref<!tpu.dma_semaphore, #tpu.memory_space<semaphore_mem>>) src(%dma_wait3A_51 : memref<1000xi32, #tpu.memory_space<hbm>>) dst(%dma_wait3A_50 : memref<1000xi32, #tpu.memory_space<vmem>>)
      tpu.yield
    }) : () -> ()
    %dma_start3A = arith.constant 0 : i32
    %dma_start3A_5 = arith.constant 0 : i32
    %dma_start3A_6 = arith.constant 0 : i32
    %dma_start3A_7 = arith.constant 0 : i32
    %dma_start3A_8 = tpu.memref_slice %arg6[%dma_start3A_5, %dma_start3A_6, %dma_start3A_7] : memref<2x1000x16xf32, #tpu.memory_space<vmem>> -> memref<1x1000x16xf32, #tpu.memory_space<vmem>>
    %dma_start3A_9 = tpu.memref_squeeze %dma_start3A_8 : memref<1x1000x16xf32, #tpu.memory_space<vmem>> -> memref<1000x16xf32, #tpu.memory_space<vmem>>
    %dma_start3A_10 = arith.constant 0 : i32
    %dma_start3A_11 = tpu.memref_slice %arg5[%dma_start3A, %dma_start3A_10] : memref<2x1000xi32, #tpu.memory_space<vmem>> -> memref<1x1000xi32, #tpu.memory_space<vmem>>
    %dma_start3A_12 = tpu.memref_squeeze %dma_start3A_11 : memref<1x1000xi32, #tpu.memory_space<vmem>> -> memref<1000xi32, #tpu.memory_space<vmem>>
    %dma_start3A_13 = arith.constant 0 : i32
    %dma_start3A_14 = arith.constant 0 : i32
    %dma_start3A_15 = tpu.memref_slice %arg3[%dma_start3A_13, %dma_start3A_14] : memref<50000x16xf32, #tpu.memory_space<hbm>> -> memref<50000x16xf32, #tpu.memory_space<hbm>>
    tpu.enqueue_indirect_dma source(%dma_start3A_15 : memref<50000x16xf32, #tpu.memory_space<hbm>>) target(%dma_start3A_9 : memref<1000x16xf32, #tpu.memory_space<vmem>>) offsets(%dma_start3A_12 : memref<1000xi32, #tpu.memory_space<vmem>>) semaphore(%arg7 : memref<!tpu.dma_semaphore, #tpu.memory_space<semaphore_mem>>)
    %scan3A = arith.constant 0 : i32
    %scan3A_16 = arith.constant 0 : i32
    %scan3A_17 = arith.constant 12 : i32
    %scan3A_18 = arith.addi %scan3A_16, %scan3A_17 : i32
    %scan3A_19 = arith.constant 1 : i32
    scf.for %scan3A_35 = %scan3A_16 to %scan3A_18 step %scan3A_19  : i32 {
      %mul3A_36 = arith.constant 2 : i32
      %mul3A_37 = arith.muli %mul3A_36, %scan3A_35 : i32
      %add3A_38 = arith.constant 1 : i32
      %add3A_39 = arith.addi %mul3A_37, %add3A_38 : i32
      %mul3A_40 = arith.constant 1000 : i32
      %mul3A_41 = arith.muli %add3A_39, %mul3A_40 : i32
      %add3A_42 = arith.addi %mul3A_2, %mul3A_41 : i32
      %run_scoped3A_43 = arith.constant 1 : i32
      "tpu.region"() ({
        %run_scoped3A_108 = tpu.sem_alloc : memref<!tpu.dma_semaphore, #tpu.memory_space<semaphore_mem>>
        %dma_start3A_109 = arith.constant 0 : i32
        %dma_start3A_110 = tpu.memref_slice %arg5[%run_scoped3A_43, %dma_start3A_109] : memref<2x1000xi32, #tpu.memory_space<vmem>> -> memref<1x1000xi32, #tpu.memory_space<vmem>>
        %dma_start3A_111 = tpu.memref_squeeze %dma_start3A_110 : memref<1x1000xi32, #tpu.memory_space<vmem>> -> memref<1000xi32, #tpu.memory_space<vmem>>
        %dma_start3A_112 = tpu.memref_slice %arg2[%add3A_42] : memref<800000xi32, #tpu.memory_space<hbm>> -> memref<1000xi32, #tpu.memory_space<hbm>>
        %dma_start3A_113 = arith.constant 0 : i32
        %dma_start3A_114 = tpu.memref_slice %arg5[%run_scoped3A_43, %dma_start3A_113] : memref<2x1000xi32, #tpu.memory_space<vmem>> -> memref<1x1000xi32, #tpu.memory_space<vmem>>
        %dma_start3A_115 = tpu.memref_squeeze %dma_start3A_114 : memref<1x1000xi32, #tpu.memory_space<vmem>> -> memref<1000xi32, #tpu.memory_space<vmem>>
        %dma_start3A_116 = tpu.memref_slice %arg2[%add3A_42] : memref<800000xi32, #tpu.memory_space<hbm>> -> memref<1000xi32, #tpu.memory_space<hbm>>
        tpu.enqueue_dma source(%dma_start3A_116 : memref<1000xi32, #tpu.memory_space<hbm>>) target(%dma_start3A_115 : memref<1000xi32, #tpu.memory_space<vmem>>) target_semaphore(%run_scoped3A_108 : memref<!tpu.dma_semaphore, #tpu.memory_space<semaphore_mem>>)
        %dma_wait3A_117 = arith.constant 0 : i32
        %dma_wait3A_118 = tpu.memref_slice %arg5[%run_scoped3A_43, %dma_wait3A_117] : memref<2x1000xi32, #tpu.memory_space<vmem>> -> memref<1x1000xi32, #tpu.memory_space<vmem>>
        %dma_wait3A_119 = tpu.memref_squeeze %dma_wait3A_118 : memref<1x1000xi32, #tpu.memory_space<vmem>> -> memref<1000xi32, #tpu.memory_space<vmem>>
        %dma_wait3A_120 = tpu.memref_slice %arg2[%add3A_42] : memref<800000xi32, #tpu.memory_space<hbm>> -> memref<1000xi32, #tpu.memory_space<hbm>>
        %dma_wait3A_121 = arith.constant 0 : i32
        %dma_wait3A_122 = tpu.memref_slice %arg5[%run_scoped3A_43, %dma_wait3A_121] : memref<2x1000xi32, #tpu.memory_space<vmem>> -> memref<1x1000xi32, #tpu.memory_space<vmem>>
        %dma_wait3A_123 = tpu.memref_squeeze %dma_wait3A_122 : memref<1x1000xi32, #tpu.memory_space<vmem>> -> memref<1000xi32, #tpu.memory_space<vmem>>
        %dma_wait3A_124 = tpu.memref_slice %arg2[%add3A_42] : memref<800000xi32, #tpu.memory_space<hbm>> -> memref<1000xi32, #tpu.memory_space<hbm>>
        tpu.wait_dma2 semaphore(%run_scoped3A_108 : memref<!tpu.dma_semaphore, #tpu.memory_space<semaphore_mem>>) src(%dma_wait3A_124 : memref<1000xi32, #tpu.memory_space<hbm>>) dst(%dma_wait3A_123 : memref<1000xi32, #tpu.memory_space<vmem>>)
        tpu.yield
      }) : () -> ()
      %dma_start3A_44 = arith.constant 1 : i32
      %dma_start3A_45 = arith.constant 1 : i32
      %dma_start3A_46 = arith.constant 0 : i32
      %dma_start3A_47 = arith.constant 0 : i32
      %dma_start3A_48 = tpu.memref_slice %arg6[%dma_start3A_45, %dma_start3A_46, %dma_start3A_47] : memref<2x1000x16xf32, #tpu.memory_space<vmem>> -> memref<1x1000x16xf32, #tpu.memory_space<vmem>>
      %dma_start3A_49 = tpu.memref_squeeze %dma_start3A_48 : memref<1x1000x16xf32, #tpu.memory_space<vmem>> -> memref<1000x16xf32, #tpu.memory_space<vmem>>
      %dma_start3A_50 = arith.constant 0 : i32
      %dma_start3A_51 = tpu.memref_slice %arg5[%dma_start3A_44, %dma_start3A_50] : memref<2x1000xi32, #tpu.memory_space<vmem>> -> memref<1x1000xi32, #tpu.memory_space<vmem>>
      %dma_start3A_52 = tpu.memref_squeeze %dma_start3A_51 : memref<1x1000xi32, #tpu.memory_space<vmem>> -> memref<1000xi32, #tpu.memory_space<vmem>>
      %dma_start3A_53 = arith.constant 0 : i32
      %dma_start3A_54 = arith.constant 0 : i32
      %dma_start3A_55 = tpu.memref_slice %arg3[%dma_start3A_53, %dma_start3A_54] : memref<50000x16xf32, #tpu.memory_space<hbm>> -> memref<50000x16xf32, #tpu.memory_space<hbm>>
      tpu.enqueue_indirect_dma source(%dma_start3A_55 : memref<50000x16xf32, #tpu.memory_space<hbm>>) target(%dma_start3A_49 : memref<1000x16xf32, #tpu.memory_space<vmem>>) offsets(%dma_start3A_52 : memref<1000xi32, #tpu.memory_space<vmem>>) semaphore(%arg8 : memref<!tpu.dma_semaphore, #tpu.memory_space<semaphore_mem>>)
      %dma_wait3A_56 = arith.constant 0 : i32
      %dma_wait3A_57 = arith.constant 0 : i32
      %dma_wait3A_58 = arith.constant 0 : i32
      %dma_wait3A_59 = arith.constant 0 : i32
      %dma_wait3A_60 = tpu.memref_slice %arg6[%dma_wait3A_57, %dma_wait3A_58, %dma_wait3A_59] : memref<2x1000x16xf32, #tpu.memory_space<vmem>> -> memref<1x1000x16xf32, #tpu.memory_space<vmem>>
      %dma_wait3A_61 = tpu.memref_squeeze %dma_wait3A_60 : memref<1x1000x16xf32, #tpu.memory_space<vmem>> -> memref<1000x16xf32, #tpu.memory_space<vmem>>
      %dma_wait3A_62 = arith.constant 0 : i32
      %dma_wait3A_63 = tpu.memref_slice %arg5[%dma_wait3A_56, %dma_wait3A_62] : memref<2x1000xi32, #tpu.memory_space<vmem>> -> memref<1x1000xi32, #tpu.memory_space<vmem>>
      %dma_wait3A_64 = tpu.memref_squeeze %dma_wait3A_63 : memref<1x1000xi32, #tpu.memory_space<vmem>> -> memref<1000xi32, #tpu.memory_space<vmem>>
      %dma_wait3A_65 = arith.constant 0 : i32
      %dma_wait3A_66 = arith.constant 0 : i32
      %dma_wait3A_67 = tpu.memref_slice %arg3[%dma_wait3A_65, %dma_wait3A_66] : memref<50000x16xf32, #tpu.memory_space<hbm>> -> memref<50000x16xf32, #tpu.memory_space<hbm>>
      tpu.wait_indirect_dma semaphore(%arg7 : memref<!tpu.dma_semaphore, #tpu.memory_space<semaphore_mem>>) src(%dma_wait3A_67 : memref<50000x16xf32, #tpu.memory_space<hbm>>) dst(%dma_wait3A_61 : memref<1000x16xf32, #tpu.memory_space<vmem>>)
      %mul3A_68 = arith.constant 1000 : i32
      %mul3A_69 = arith.muli %mul3A_37, %mul3A_68 : i32
      %add3A_70 = arith.addi %mul3A_2, %mul3A_69 : i32
      %run_scoped3A_71 = arith.constant 0 : i32
      "tpu.region"() ({
        %run_scoped3A_108 = tpu.sem_alloc : memref<!tpu.dma_semaphore, #tpu.memory_space<semaphore_mem>>
        %dma_start3A_109 = arith.constant 0 : i32
        %dma_start3A_110 = arith.constant 0 : i32
        %dma_start3A_111 = tpu.memref_slice %arg6[%run_scoped3A_71, %dma_start3A_109, %dma_start3A_110] : memref<2x1000x16xf32, #tpu.memory_space<vmem>> -> memref<1x1000x16xf32, #tpu.memory_space<vmem>>
        %dma_start3A_112 = tpu.memref_squeeze %dma_start3A_111 : memref<1x1000x16xf32, #tpu.memory_space<vmem>> -> memref<1000x16xf32, #tpu.memory_space<vmem>>
        %dma_start3A_113 = arith.constant 0 : i32
        %dma_start3A_114 = tpu.memref_slice %arg4[%add3A_70, %dma_start3A_113] : memref<800000x16xf32, #tpu.memory_space<hbm>> -> memref<1000x16xf32, #tpu.memory_space<hbm>>
        %dma_start3A_115 = arith.constant 0 : i32
        %dma_start3A_116 = tpu.memref_slice %arg4[%add3A_70, %dma_start3A_115] : memref<800000x16xf32, #tpu.memory_space<hbm>> -> memref<1000x16xf32, #tpu.memory_space<hbm>>
        %dma_start3A_117 = arith.constant 0 : i32
        %dma_start3A_118 = arith.constant 0 : i32
        %dma_start3A_119 = tpu.memref_slice %arg6[%run_scoped3A_71, %dma_start3A_117, %dma_start3A_118] : memref<2x1000x16xf32, #tpu.memory_space<vmem>> -> memref<1x1000x16xf32, #tpu.memory_space<vmem>>
        %dma_start3A_120 = tpu.memref_squeeze %dma_start3A_119 : memref<1x1000x16xf32, #tpu.memory_space<vmem>> -> memref<1000x16xf32, #tpu.memory_space<vmem>>
        tpu.enqueue_dma source(%dma_start3A_120 : memref<1000x16xf32, #tpu.memory_space<vmem>>) target(%dma_start3A_116 : memref<1000x16xf32, #tpu.memory_space<hbm>>) target_semaphore(%run_scoped3A_108 : memref<!tpu.dma_semaphore, #tpu.memory_space<semaphore_mem>>)
        %dma_wait3A_121 = arith.constant 0 : i32
        %dma_wait3A_122 = arith.constant 0 : i32
        %dma_wait3A_123 = tpu.memref_slice %arg6[%run_scoped3A_71, %dma_wait3A_121, %dma_wait3A_122] : memref<2x1000x16xf32, #tpu.memory_space<vmem>> -> memref<1x1000x16xf32, #tpu.memory_space<vmem>>
        %dma_wait3A_124 = tpu.memref_squeeze %dma_wait3A_123 : memref<1x1000x16xf32, #tpu.memory_space<vmem>> -> memref<1000x16xf32, #tpu.memory_space<vmem>>
        %dma_wait3A_125 = arith.constant 0 : i32
        %dma_wait3A_126 = tpu.memref_slice %arg4[%add3A_70, %dma_wait3A_125] : memref<800000x16xf32, #tpu.memory_space<hbm>> -> memref<1000x16xf32, #tpu.memory_space<hbm>>
        %dma_wait3A_127 = arith.constant 0 : i32
        %dma_wait3A_128 = tpu.memref_slice %arg4[%add3A_70, %dma_wait3A_127] : memref<800000x16xf32, #tpu.memory_space<hbm>> -> memref<1000x16xf32, #tpu.memory_space<hbm>>
        %dma_wait3A_129 = arith.constant 0 : i32
        %dma_wait3A_130 = arith.constant 0 : i32
        %dma_wait3A_131 = tpu.memref_slice %arg6[%run_scoped3A_71, %dma_wait3A_129, %dma_wait3A_130] : memref<2x1000x16xf32, #tpu.memory_space<vmem>> -> memref<1x1000x16xf32, #tpu.memory_space<vmem>>
        %dma_wait3A_132 = tpu.memref_squeeze %dma_wait3A_131 : memref<1x1000x16xf32, #tpu.memory_space<vmem>> -> memref<1000x16xf32, #tpu.memory_space<vmem>>
        tpu.wait_dma2 semaphore(%run_scoped3A_108 : memref<!tpu.dma_semaphore, #tpu.memory_space<semaphore_mem>>) src(%dma_wait3A_132 : memref<1000x16xf32, #tpu.memory_space<vmem>>) dst(%dma_wait3A_128 : memref<1000x16xf32, #tpu.memory_space<hbm>>)
        tpu.yield
      }) : () -> ()
      %add3A_72 = arith.constant 2 : i32
      %add3A_73 = arith.addi %mul3A_37, %add3A_72 : i32
      %mul3A_74 = arith.constant 1000 : i32
      %mul3A_75 = arith.muli %add3A_73, %mul3A_74 : i32
      %add3A_76 = arith.addi %mul3A_2, %mul3A_75 : i32
      %run_scoped3A_77 = arith.constant 0 : i32
      "tpu.region"() ({
        %run_scoped3A_108 = tpu.sem_alloc : memref<!tpu.dma_semaphore, #tpu.memory_space<semaphore_mem>>
        %dma_start3A_109 = arith.constant 0 : i32
        %dma_start3A_110 = tpu.memref_slice %arg5[%run_scoped3A_77, %dma_start3A_109] : memref<2x1000xi32, #tpu.memory_space<vmem>> -> memref<1x1000xi32, #tpu.memory_space<vmem>>
        %dma_start3A_111 = tpu.memref_squeeze %dma_start3A_110 : memref<1x1000xi32, #tpu.memory_space<vmem>> -> memref<1000xi32, #tpu.memory_space<vmem>>
        %dma_start3A_112 = tpu.memref_slice %arg2[%add3A_76] : memref<800000xi32, #tpu.memory_space<hbm>> -> memref<1000xi32, #tpu.memory_space<hbm>>
        %dma_start3A_113 = arith.constant 0 : i32
        %dma_start3A_114 = tpu.memref_slice %arg5[%run_scoped3A_77, %dma_start3A_113] : memref<2x1000xi32, #tpu.memory_space<vmem>> -> memref<1x1000xi32, #tpu.memory_space<vmem>>
        %dma_start3A_115 = tpu.memref_squeeze %dma_start3A_114 : memref<1x1000xi32, #tpu.memory_space<vmem>> -> memref<1000xi32, #tpu.memory_space<vmem>>
        %dma_start3A_116 = tpu.memref_slice %arg2[%add3A_76] : memref<800000xi32, #tpu.memory_space<hbm>> -> memref<1000xi32, #tpu.memory_space<hbm>>
        tpu.enqueue_dma source(%dma_start3A_116 : memref<1000xi32, #tpu.memory_space<hbm>>) target(%dma_start3A_115 : memref<1000xi32, #tpu.memory_space<vmem>>) target_semaphore(%run_scoped3A_108 : memref<!tpu.dma_semaphore, #tpu.memory_space<semaphore_mem>>)
        %dma_wait3A_117 = arith.constant 0 : i32
        %dma_wait3A_118 = tpu.memref_slice %arg5[%run_scoped3A_77, %dma_wait3A_117] : memref<2x1000xi32, #tpu.memory_space<vmem>> -> memref<1x1000xi32, #tpu.memory_space<vmem>>
        %dma_wait3A_119 = tpu.memref_squeeze %dma_wait3A_118 : memref<1x1000xi32, #tpu.memory_space<vmem>> -> memref<1000xi32, #tpu.memory_space<vmem>>
        %dma_wait3A_120 = tpu.memref_slice %arg2[%add3A_76] : memref<800000xi32, #tpu.memory_space<hbm>> -> memref<1000xi32, #tpu.memory_space<hbm>>
        %dma_wait3A_121 = arith.constant 0 : i32
        %dma_wait3A_122 = tpu.memref_slice %arg5[%run_scoped3A_77, %dma_wait3A_121] : memref<2x1000xi32, #tpu.memory_space<vmem>> -> memref<1x1000xi32, #tpu.memory_space<vmem>>
        %dma_wait3A_123 = tpu.memref_squeeze %dma_wait3A_122 : memref<1x1000xi32, #tpu.memory_space<vmem>> -> memref<1000xi32, #tpu.memory_space<vmem>>
        %dma_wait3A_124 = tpu.memref_slice %arg2[%add3A_76] : memref<800000xi32, #tpu.memory_space<hbm>> -> memref<1000xi32, #tpu.memory_space<hbm>>
        tpu.wait_dma2 semaphore(%run_scoped3A_108 : memref<!tpu.dma_semaphore, #tpu.memory_space<semaphore_mem>>) src(%dma_wait3A_124 : memref<1000xi32, #tpu.memory_space<hbm>>) dst(%dma_wait3A_123 : memref<1000xi32, #tpu.memory_space<vmem>>)
        tpu.yield
      }) : () -> ()
      %dma_start3A_78 = arith.constant 0 : i32
      %dma_start3A_79 = arith.constant 0 : i32
      %dma_start3A_80 = arith.constant 0 : i32
      %dma_start3A_81 = arith.constant 0 : i32
      %dma_start3A_82 = tpu.memref_slice %arg6[%dma_start3A_79, %dma_start3A_80, %dma_start3A_81] : memref<2x1000x16xf32, #tpu.memory_space<vmem>> -> memref<1x1000x16xf32, #tpu.memory_space<vmem>>
      %dma_start3A_83 = tpu.memref_squeeze %dma_start3A_82 : memref<1x1000x16xf32, #tpu.memory_space<vmem>> -> memref<1000x16xf32, #tpu.memory_space<vmem>>
      %dma_start3A_84 = arith.constant 0 : i32
      %dma_start3A_85 = tpu.memref_slice %arg5[%dma_start3A_78, %dma_start3A_84] : memref<2x1000xi32, #tpu.memory_space<vmem>> -> memref<1x1000xi32, #tpu.memory_space<vmem>>
      %dma_start3A_86 = tpu.memref_squeeze %dma_start3A_85 : memref<1x1000xi32, #tpu.memory_space<vmem>> -> memref<1000xi32, #tpu.memory_space<vmem>>
      %dma_start3A_87 = arith.constant 0 : i32
      %dma_start3A_88 = arith.constant 0 : i32
      %dma_start3A_89 = tpu.memref_slice %arg3[%dma_start3A_87, %dma_start3A_88] : memref<50000x16xf32, #tpu.memory_space<hbm>> -> memref<50000x16xf32, #tpu.memory_space<hbm>>
      tpu.enqueue_indirect_dma source(%dma_start3A_89 : memref<50000x16xf32, #tpu.memory_space<hbm>>) target(%dma_start3A_83 : memref<1000x16xf32, #tpu.memory_space<vmem>>) offsets(%dma_start3A_86 : memref<1000xi32, #tpu.memory_space<vmem>>) semaphore(%arg7 : memref<!tpu.dma_semaphore, #tpu.memory_space<semaphore_mem>>)
      %add3A_90 = arith.constant 1 : i32
      %add3A_91 = arith.addi %mul3A_37, %add3A_90 : i32
      %dma_wait3A_92 = arith.constant 1 : i32
      %dma_wait3A_93 = arith.constant 1 : i32
      %dma_wait3A_94 = arith.constant 0 : i32
      %dma_wait3A_95 = arith.constant 0 : i32
      %dma_wait3A_96 = tpu.memref_slice %arg6[%dma_wait3A_93, %dma_wait3A_94, %dma_wait3A_95] : memref<2x1000x16xf32, #tpu.memory_space<vmem>> -> memref<1x1000x16xf32, #tpu.memory_space<vmem>>
      %dma_wait3A_97 = tpu.memref_squeeze %dma_wait3A_96 : memref<1x1000x16xf32, #tpu.memory_space<vmem>> -> memref<1000x16xf32, #tpu.memory_space<vmem>>
      %dma_wait3A_98 = arith.constant 0 : i32
      %dma_wait3A_99 = tpu.memref_slice %arg5[%dma_wait3A_92, %dma_wait3A_98] : memref<2x1000xi32, #tpu.memory_space<vmem>> -> memref<1x1000xi32, #tpu.memory_space<vmem>>
      %dma_wait3A_100 = tpu.memref_squeeze %dma_wait3A_99 : memref<1x1000xi32, #tpu.memory_space<vmem>> -> memref<1000xi32, #tpu.memory_space<vmem>>
      %dma_wait3A_101 = arith.constant 0 : i32
      %dma_wait3A_102 = arith.constant 0 : i32
      %dma_wait3A_103 = tpu.memref_slice %arg3[%dma_wait3A_101, %dma_wait3A_102] : memref<50000x16xf32, #tpu.memory_space<hbm>> -> memref<50000x16xf32, #tpu.memory_space<hbm>>
      tpu.wait_indirect_dma semaphore(%arg8 : memref<!tpu.dma_semaphore, #tpu.memory_space<semaphore_mem>>) src(%dma_wait3A_103 : memref<50000x16xf32, #tpu.memory_space<hbm>>) dst(%dma_wait3A_97 : memref<1000x16xf32, #tpu.memory_space<vmem>>)
      %mul3A_104 = arith.constant 1000 : i32
      %mul3A_105 = arith.muli %add3A_91, %mul3A_104 : i32
      %add3A_106 = arith.addi %mul3A_2, %mul3A_105 : i32
      %run_scoped3A_107 = arith.constant 1 : i32
      "tpu.region"() ({
        %run_scoped3A_108 = tpu.sem_alloc : memref<!tpu.dma_semaphore, #tpu.memory_space<semaphore_mem>>
        %dma_start3A_109 = arith.constant 0 : i32
        %dma_start3A_110 = arith.constant 0 : i32
        %dma_start3A_111 = tpu.memref_slice %arg6[%run_scoped3A_107, %dma_start3A_109, %dma_start3A_110] : memref<2x1000x16xf32, #tpu.memory_space<vmem>> -> memref<1x1000x16xf32, #tpu.memory_space<vmem>>
        %dma_start3A_112 = tpu.memref_squeeze %dma_start3A_111 : memref<1x1000x16xf32, #tpu.memory_space<vmem>> -> memref<1000x16xf32, #tpu.memory_space<vmem>>
        %dma_start3A_113 = arith.constant 0 : i32
        %dma_start3A_114 = tpu.memref_slice %arg4[%add3A_106, %dma_start3A_113] : memref<800000x16xf32, #tpu.memory_space<hbm>> -> memref<1000x16xf32, #tpu.memory_space<hbm>>
        %dma_start3A_115 = arith.constant 0 : i32
        %dma_start3A_116 = tpu.memref_slice %arg4[%add3A_106, %dma_start3A_115] : memref<800000x16xf32, #tpu.memory_space<hbm>> -> memref<1000x16xf32, #tpu.memory_space<hbm>>
        %dma_start3A_117 = arith.constant 0 : i32
        %dma_start3A_118 = arith.constant 0 : i32
        %dma_start3A_119 = tpu.memref_slice %arg6[%run_scoped3A_107, %dma_start3A_117, %dma_start3A_118] : memref<2x1000x16xf32, #tpu.memory_space<vmem>> -> memref<1x1000x16xf32, #tpu.memory_space<vmem>>
        %dma_start3A_120 = tpu.memref_squeeze %dma_start3A_119 : memref<1x1000x16xf32, #tpu.memory_space<vmem>> -> memref<1000x16xf32, #tpu.memory_space<vmem>>
        tpu.enqueue_dma source(%dma_start3A_120 : memref<1000x16xf32, #tpu.memory_space<vmem>>) target(%dma_start3A_116 : memref<1000x16xf32, #tpu.memory_space<hbm>>) target_semaphore(%run_scoped3A_108 : memref<!tpu.dma_semaphore, #tpu.memory_space<semaphore_mem>>)
        %dma_wait3A_121 = arith.constant 0 : i32
        %dma_wait3A_122 = arith.constant 0 : i32
        %dma_wait3A_123 = tpu.memref_slice %arg6[%run_scoped3A_107, %dma_wait3A_121, %dma_wait3A_122] : memref<2x1000x16xf32, #tpu.memory_space<vmem>> -> memref<1x1000x16xf32, #tpu.memory_space<vmem>>
        %dma_wait3A_124 = tpu.memref_squeeze %dma_wait3A_123 : memref<1x1000x16xf32, #tpu.memory_space<vmem>> -> memref<1000x16xf32, #tpu.memory_space<vmem>>
        %dma_wait3A_125 = arith.constant 0 : i32
        %dma_wait3A_126 = tpu.memref_slice %arg4[%add3A_106, %dma_wait3A_125] : memref<800000x16xf32, #tpu.memory_space<hbm>> -> memref<1000x16xf32, #tpu.memory_space<hbm>>
        %dma_wait3A_127 = arith.constant 0 : i32
        %dma_wait3A_128 = tpu.memref_slice %arg4[%add3A_106, %dma_wait3A_127] : memref<800000x16xf32, #tpu.memory_space<hbm>> -> memref<1000x16xf32, #tpu.memory_space<hbm>>
        %dma_wait3A_129 = arith.constant 0 : i32
        %dma_wait3A_130 = arith.constant 0 : i32
        %dma_wait3A_131 = tpu.memref_slice %arg6[%run_scoped3A_107, %dma_wait3A_129, %dma_wait3A_130] : memref<2x1000x16xf32, #tpu.memory_space<vmem>> -> memref<1x1000x16xf32, #tpu.memory_space<vmem>>
        %dma_wait3A_132 = tpu.memref_squeeze %dma_wait3A_131 : memref<1x1000x16xf32, #tpu.memory_space<vmem>> -> memref<1000x16xf32, #tpu.memory_space<vmem>>
        tpu.wait_dma2 semaphore(%run_scoped3A_108 : memref<!tpu.dma_semaphore, #tpu.memory_space<semaphore_mem>>) src(%dma_wait3A_132 : memref<1000x16xf32, #tpu.memory_space<vmem>>) dst(%dma_wait3A_128 : memref<1000x16xf32, #tpu.memory_space<hbm>>)
        tpu.yield
      }) : () -> ()
    }
    %scan3A_20 = arith.constant 12 : i32
    %dma_wait3A = arith.constant 0 : i32
    %dma_wait3A_21 = arith.constant 0 : i32
    %dma_wait3A_22 = arith.constant 0 : i32
    %dma_wait3A_23 = arith.constant 0 : i32
    %dma_wait3A_24 = tpu.memref_slice %arg6[%dma_wait3A_21, %dma_wait3A_22, %dma_wait3A_23] : memref<2x1000x16xf32, #tpu.memory_space<vmem>> -> memref<1x1000x16xf32, #tpu.memory_space<vmem>>
    %dma_wait3A_25 = tpu.memref_squeeze %dma_wait3A_24 : memref<1x1000x16xf32, #tpu.memory_space<vmem>> -> memref<1000x16xf32, #tpu.memory_space<vmem>>
    %dma_wait3A_26 = arith.constant 0 : i32
    %dma_wait3A_27 = tpu.memref_slice %arg5[%dma_wait3A, %dma_wait3A_26] : memref<2x1000xi32, #tpu.memory_space<vmem>> -> memref<1x1000xi32, #tpu.memory_space<vmem>>
    %dma_wait3A_28 = tpu.memref_squeeze %dma_wait3A_27 : memref<1x1000xi32, #tpu.memory_space<vmem>> -> memref<1000xi32, #tpu.memory_space<vmem>>
    %dma_wait3A_29 = arith.constant 0 : i32
    %dma_wait3A_30 = arith.constant 0 : i32
    %dma_wait3A_31 = tpu.memref_slice %arg3[%dma_wait3A_29, %dma_wait3A_30] : memref<50000x16xf32, #tpu.memory_space<hbm>> -> memref<50000x16xf32, #tpu.memory_space<hbm>>
    tpu.wait_indirect_dma semaphore(%arg7 : memref<!tpu.dma_semaphore, #tpu.memory_space<semaphore_mem>>) src(%dma_wait3A_31 : memref<50000x16xf32, #tpu.memory_space<hbm>>) dst(%dma_wait3A_25 : memref<1000x16xf32, #tpu.memory_space<vmem>>)
    %add3A_32 = arith.constant 24000 : i32
    %add3A_33 = arith.addi %mul3A_2, %add3A_32 : i32
    %run_scoped3A_34 = arith.constant 0 : i32
    "tpu.region"() ({
      %run_scoped3A_35 = tpu.sem_alloc : memref<!tpu.dma_semaphore, #tpu.memory_space<semaphore_mem>>
      %dma_start3A_36 = arith.constant 0 : i32
      %dma_start3A_37 = arith.constant 0 : i32
      %dma_start3A_38 = tpu.memref_slice %arg6[%run_scoped3A_34, %dma_start3A_36, %dma_start3A_37] : memref<2x1000x16xf32, #tpu.memory_space<vmem>> -> memref<1x1000x16xf32, #tpu.memory_space<vmem>>
      %dma_start3A_39 = tpu.memref_squeeze %dma_start3A_38 : memref<1x1000x16xf32, #tpu.memory_space<vmem>> -> memref<1000x16xf32, #tpu.memory_space<vmem>>
      %dma_start3A_40 = arith.constant 0 : i32
      %dma_start3A_41 = tpu.memref_slice %arg4[%add3A_33, %dma_start3A_40] : memref<800000x16xf32, #tpu.memory_space<hbm>> -> memref<1000x16xf32, #tpu.memory_space<hbm>>
      %dma_start3A_42 = arith.constant 0 : i32
      %dma_start3A_43 = tpu.memref_slice %arg4[%add3A_33, %dma_start3A_42] : memref<800000x16xf32, #tpu.memory_space<hbm>> -> memref<1000x16xf32, #tpu.memory_space<hbm>>
      %dma_start3A_44 = arith.constant 0 : i32
      %dma_start3A_45 = arith.constant 0 : i32
      %dma_start3A_46 = tpu.memref_slice %arg6[%run_scoped3A_34, %dma_start3A_44, %dma_start3A_45] : memref<2x1000x16xf32, #tpu.memory_space<vmem>> -> memref<1x1000x16xf32, #tpu.memory_space<vmem>>
      %dma_start3A_47 = tpu.memref_squeeze %dma_start3A_46 : memref<1x1000x16xf32, #tpu.memory_space<vmem>> -> memref<1000x16xf32, #tpu.memory_space<vmem>>
      tpu.enqueue_dma source(%dma_start3A_47 : memref<1000x16xf32, #tpu.memory_space<vmem>>) target(%dma_start3A_43 : memref<1000x16xf32, #tpu.memory_space<hbm>>) target_semaphore(%run_scoped3A_35 : memref<!tpu.dma_semaphore, #tpu.memory_space<semaphore_mem>>)
      %dma_wait3A_48 = arith.constant 0 : i32
      %dma_wait3A_49 = arith.constant 0 : i32
      %dma_wait3A_50 = tpu.memref_slice %arg6[%run_scoped3A_34, %dma_wait3A_48, %dma_wait3A_49] : memref<2x1000x16xf32, #tpu.memory_space<vmem>> -> memref<1x1000x16xf32, #tpu.memory_space<vmem>>
      %dma_wait3A_51 = tpu.memref_squeeze %dma_wait3A_50 : memref<1x1000x16xf32, #tpu.memory_space<vmem>> -> memref<1000x16xf32, #tpu.memory_space<vmem>>
      %dma_wait3A_52 = arith.constant 0 : i32
      %dma_wait3A_53 = tpu.memref_slice %arg4[%add3A_33, %dma_wait3A_52] : memref<800000x16xf32, #tpu.memory_space<hbm>> -> memref<1000x16xf32, #tpu.memory_space<hbm>>
      %dma_wait3A_54 = arith.constant 0 : i32
      %dma_wait3A_55 = tpu.memref_slice %arg4[%add3A_33, %dma_wait3A_54] : memref<800000x16xf32, #tpu.memory_space<hbm>> -> memref<1000x16xf32, #tpu.memory_space<hbm>>
      %dma_wait3A_56 = arith.constant 0 : i32
      %dma_wait3A_57 = arith.constant 0 : i32
      %dma_wait3A_58 = tpu.memref_slice %arg6[%run_scoped3A_34, %dma_wait3A_56, %dma_wait3A_57] : memref<2x1000x16xf32, #tpu.memory_space<vmem>> -> memref<1x1000x16xf32, #tpu.memory_space<vmem>>
      %dma_wait3A_59 = tpu.memref_squeeze %dma_wait3A_58 : memref<1x1000x16xf32, #tpu.memory_space<vmem>> -> memref<1000x16xf32, #tpu.memory_space<vmem>>
      tpu.wait_dma2 semaphore(%run_scoped3A_35 : memref<!tpu.dma_semaphore, #tpu.memory_space<semaphore_mem>>) src(%dma_wait3A_59 : memref<1000x16xf32, #tpu.memory_space<vmem>>) dst(%dma_wait3A_55 : memref<1000x16xf32, #tpu.memory_space<hbm>>)
      tpu.yield
    }) : () -> ()
    return
  }
}

#map = affine_map<(d0, d1) -> (0)>
#map1 = affine_map<(d0, d1) -> (0, 0)>
module attributes {stable_mosaic.version = 14 : i64} {
  func.func @gather_k(%arg0: i32, %arg1: i32, %arg2: memref<800000xi32, #tpu.memory_space<hbm>>, %arg3: memref<50000x32xf32, #tpu.memory_space<hbm>>, %arg4: memref<800000x32xf32, #tpu.memory_space<hbm>>, %arg5: memref<2x1000xi32, #tpu.memory_space<vmem>>, %arg6: memref<2x1000x32xf32, #tpu.memory_space<vmem>>, %arg7: memref<!tpu.dma_semaphore, #tpu.memory_space<semaphore_mem>>, %arg8: memref<!tpu.dma_semaphore, #tpu.memory_space<semaphore_mem>>) attributes {dimension_semantics = [#tpu.dimension_semantics<core_parallel>, #tpu.dimension_semantics<subcore_parallel>], iteration_bounds = array<i64: 2, 16>, scalar_prefetch = 0 : i64, scratch_operands = 4 : i64, tpu.core_type = #tpu.core_type<sc_vector_subcore>, window_params = [{transform_indices = #map}, {transform_indices = #map1}, {transform_indices = #map1}]} {
    %mul3A = arith.constant 2 : i32
    %mul3A_0 = arith.muli %arg1, %mul3A : i32
    %add3A = arith.addi %mul3A_0, %arg0 : i32
    %mul3A_1 = arith.constant 25000 : i32
    %mul3A_2 = arith.muli %add3A, %mul3A_1 : i32
    %add3A_3 = arith.constant 0 : i32
    %add3A_4 = arith.addi %mul3A_2, %add3A_3 : i32
    %run_scoped3A = arith.constant 0 : i32
    "tpu.region"() ({
      %run_scoped3A_35 = tpu.sem_alloc : memref<!tpu.dma_semaphore, #tpu.memory_space<semaphore_mem>>
      %dma_start3A_36 = arith.constant 0 : i32
      %dma_start3A_37 = tpu.memref_slice %arg5[%run_scoped3A, %dma_start3A_36] : memref<2x1000xi32, #tpu.memory_space<vmem>> -> memref<1x1000xi32, #tpu.memory_space<vmem>>
      %dma_start3A_38 = tpu.memref_squeeze %dma_start3A_37 : memref<1x1000xi32, #tpu.memory_space<vmem>> -> memref<1000xi32, #tpu.memory_space<vmem>>
      %dma_start3A_39 = tpu.memref_slice %arg2[%add3A_4] : memref<800000xi32, #tpu.memory_space<hbm>> -> memref<1000xi32, #tpu.memory_space<hbm>>
      %dma_start3A_40 = arith.constant 0 : i32
      %dma_start3A_41 = tpu.memref_slice %arg5[%run_scoped3A, %dma_start3A_40] : memref<2x1000xi32, #tpu.memory_space<vmem>> -> memref<1x1000xi32, #tpu.memory_space<vmem>>
      %dma_start3A_42 = tpu.memref_squeeze %dma_start3A_41 : memref<1x1000xi32, #tpu.memory_space<vmem>> -> memref<1000xi32, #tpu.memory_space<vmem>>
      %dma_start3A_43 = tpu.memref_slice %arg2[%add3A_4] : memref<800000xi32, #tpu.memory_space<hbm>> -> memref<1000xi32, #tpu.memory_space<hbm>>
      tpu.enqueue_dma source(%dma_start3A_43 : memref<1000xi32, #tpu.memory_space<hbm>>) target(%dma_start3A_42 : memref<1000xi32, #tpu.memory_space<vmem>>) target_semaphore(%run_scoped3A_35 : memref<!tpu.dma_semaphore, #tpu.memory_space<semaphore_mem>>)
      %dma_wait3A_44 = arith.constant 0 : i32
      %dma_wait3A_45 = tpu.memref_slice %arg5[%run_scoped3A, %dma_wait3A_44] : memref<2x1000xi32, #tpu.memory_space<vmem>> -> memref<1x1000xi32, #tpu.memory_space<vmem>>
      %dma_wait3A_46 = tpu.memref_squeeze %dma_wait3A_45 : memref<1x1000xi32, #tpu.memory_space<vmem>> -> memref<1000xi32, #tpu.memory_space<vmem>>
      %dma_wait3A_47 = tpu.memref_slice %arg2[%add3A_4] : memref<800000xi32, #tpu.memory_space<hbm>> -> memref<1000xi32, #tpu.memory_space<hbm>>
      %dma_wait3A_48 = arith.constant 0 : i32
      %dma_wait3A_49 = tpu.memref_slice %arg5[%run_scoped3A, %dma_wait3A_48] : memref<2x1000xi32, #tpu.memory_space<vmem>> -> memref<1x1000xi32, #tpu.memory_space<vmem>>
      %dma_wait3A_50 = tpu.memref_squeeze %dma_wait3A_49 : memref<1x1000xi32, #tpu.memory_space<vmem>> -> memref<1000xi32, #tpu.memory_space<vmem>>
      %dma_wait3A_51 = tpu.memref_slice %arg2[%add3A_4] : memref<800000xi32, #tpu.memory_space<hbm>> -> memref<1000xi32, #tpu.memory_space<hbm>>
      tpu.wait_dma2 semaphore(%run_scoped3A_35 : memref<!tpu.dma_semaphore, #tpu.memory_space<semaphore_mem>>) src(%dma_wait3A_51 : memref<1000xi32, #tpu.memory_space<hbm>>) dst(%dma_wait3A_50 : memref<1000xi32, #tpu.memory_space<vmem>>)
      tpu.yield
    }) : () -> ()
    %dma_start3A = arith.constant 0 : i32
    %dma_start3A_5 = arith.constant 0 : i32
    %dma_start3A_6 = arith.constant 0 : i32
    %dma_start3A_7 = arith.constant 0 : i32
    %dma_start3A_8 = tpu.memref_slice %arg6[%dma_start3A_5, %dma_start3A_6, %dma_start3A_7] : memref<2x1000x32xf32, #tpu.memory_space<vmem>> -> memref<1x1000x32xf32, #tpu.memory_space<vmem>>
    %dma_start3A_9 = tpu.memref_squeeze %dma_start3A_8 : memref<1x1000x32xf32, #tpu.memory_space<vmem>> -> memref<1000x32xf32, #tpu.memory_space<vmem>>
    %dma_start3A_10 = arith.constant 0 : i32
    %dma_start3A_11 = tpu.memref_slice %arg5[%dma_start3A, %dma_start3A_10] : memref<2x1000xi32, #tpu.memory_space<vmem>> -> memref<1x1000xi32, #tpu.memory_space<vmem>>
    %dma_start3A_12 = tpu.memref_squeeze %dma_start3A_11 : memref<1x1000xi32, #tpu.memory_space<vmem>> -> memref<1000xi32, #tpu.memory_space<vmem>>
    %dma_start3A_13 = arith.constant 0 : i32
    %dma_start3A_14 = arith.constant 0 : i32
    %dma_start3A_15 = tpu.memref_slice %arg3[%dma_start3A_13, %dma_start3A_14] : memref<50000x32xf32, #tpu.memory_space<hbm>> -> memref<50000x32xf32, #tpu.memory_space<hbm>>
    tpu.enqueue_indirect_dma source(%dma_start3A_15 : memref<50000x32xf32, #tpu.memory_space<hbm>>) target(%dma_start3A_9 : memref<1000x32xf32, #tpu.memory_space<vmem>>) offsets(%dma_start3A_12 : memref<1000xi32, #tpu.memory_space<vmem>>) semaphore(%arg7 : memref<!tpu.dma_semaphore, #tpu.memory_space<semaphore_mem>>)
    %scan3A = arith.constant 0 : i32
    %scan3A_16 = arith.constant 0 : i32
    %scan3A_17 = arith.constant 12 : i32
    %scan3A_18 = arith.addi %scan3A_16, %scan3A_17 : i32
    %scan3A_19 = arith.constant 1 : i32
    scf.for %scan3A_35 = %scan3A_16 to %scan3A_18 step %scan3A_19  : i32 {
      %mul3A_36 = arith.constant 2 : i32
      %mul3A_37 = arith.muli %mul3A_36, %scan3A_35 : i32
      %add3A_38 = arith.constant 1 : i32
      %add3A_39 = arith.addi %mul3A_37, %add3A_38 : i32
      %mul3A_40 = arith.constant 1000 : i32
      %mul3A_41 = arith.muli %add3A_39, %mul3A_40 : i32
      %add3A_42 = arith.addi %mul3A_2, %mul3A_41 : i32
      %run_scoped3A_43 = arith.constant 1 : i32
      "tpu.region"() ({
        %run_scoped3A_108 = tpu.sem_alloc : memref<!tpu.dma_semaphore, #tpu.memory_space<semaphore_mem>>
        %dma_start3A_109 = arith.constant 0 : i32
        %dma_start3A_110 = tpu.memref_slice %arg5[%run_scoped3A_43, %dma_start3A_109] : memref<2x1000xi32, #tpu.memory_space<vmem>> -> memref<1x1000xi32, #tpu.memory_space<vmem>>
        %dma_start3A_111 = tpu.memref_squeeze %dma_start3A_110 : memref<1x1000xi32, #tpu.memory_space<vmem>> -> memref<1000xi32, #tpu.memory_space<vmem>>
        %dma_start3A_112 = tpu.memref_slice %arg2[%add3A_42] : memref<800000xi32, #tpu.memory_space<hbm>> -> memref<1000xi32, #tpu.memory_space<hbm>>
        %dma_start3A_113 = arith.constant 0 : i32
        %dma_start3A_114 = tpu.memref_slice %arg5[%run_scoped3A_43, %dma_start3A_113] : memref<2x1000xi32, #tpu.memory_space<vmem>> -> memref<1x1000xi32, #tpu.memory_space<vmem>>
        %dma_start3A_115 = tpu.memref_squeeze %dma_start3A_114 : memref<1x1000xi32, #tpu.memory_space<vmem>> -> memref<1000xi32, #tpu.memory_space<vmem>>
        %dma_start3A_116 = tpu.memref_slice %arg2[%add3A_42] : memref<800000xi32, #tpu.memory_space<hbm>> -> memref<1000xi32, #tpu.memory_space<hbm>>
        tpu.enqueue_dma source(%dma_start3A_116 : memref<1000xi32, #tpu.memory_space<hbm>>) target(%dma_start3A_115 : memref<1000xi32, #tpu.memory_space<vmem>>) target_semaphore(%run_scoped3A_108 : memref<!tpu.dma_semaphore, #tpu.memory_space<semaphore_mem>>)
        %dma_wait3A_117 = arith.constant 0 : i32
        %dma_wait3A_118 = tpu.memref_slice %arg5[%run_scoped3A_43, %dma_wait3A_117] : memref<2x1000xi32, #tpu.memory_space<vmem>> -> memref<1x1000xi32, #tpu.memory_space<vmem>>
        %dma_wait3A_119 = tpu.memref_squeeze %dma_wait3A_118 : memref<1x1000xi32, #tpu.memory_space<vmem>> -> memref<1000xi32, #tpu.memory_space<vmem>>
        %dma_wait3A_120 = tpu.memref_slice %arg2[%add3A_42] : memref<800000xi32, #tpu.memory_space<hbm>> -> memref<1000xi32, #tpu.memory_space<hbm>>
        %dma_wait3A_121 = arith.constant 0 : i32
        %dma_wait3A_122 = tpu.memref_slice %arg5[%run_scoped3A_43, %dma_wait3A_121] : memref<2x1000xi32, #tpu.memory_space<vmem>> -> memref<1x1000xi32, #tpu.memory_space<vmem>>
        %dma_wait3A_123 = tpu.memref_squeeze %dma_wait3A_122 : memref<1x1000xi32, #tpu.memory_space<vmem>> -> memref<1000xi32, #tpu.memory_space<vmem>>
        %dma_wait3A_124 = tpu.memref_slice %arg2[%add3A_42] : memref<800000xi32, #tpu.memory_space<hbm>> -> memref<1000xi32, #tpu.memory_space<hbm>>
        tpu.wait_dma2 semaphore(%run_scoped3A_108 : memref<!tpu.dma_semaphore, #tpu.memory_space<semaphore_mem>>) src(%dma_wait3A_124 : memref<1000xi32, #tpu.memory_space<hbm>>) dst(%dma_wait3A_123 : memref<1000xi32, #tpu.memory_space<vmem>>)
        tpu.yield
      }) : () -> ()
      %dma_start3A_44 = arith.constant 1 : i32
      %dma_start3A_45 = arith.constant 1 : i32
      %dma_start3A_46 = arith.constant 0 : i32
      %dma_start3A_47 = arith.constant 0 : i32
      %dma_start3A_48 = tpu.memref_slice %arg6[%dma_start3A_45, %dma_start3A_46, %dma_start3A_47] : memref<2x1000x32xf32, #tpu.memory_space<vmem>> -> memref<1x1000x32xf32, #tpu.memory_space<vmem>>
      %dma_start3A_49 = tpu.memref_squeeze %dma_start3A_48 : memref<1x1000x32xf32, #tpu.memory_space<vmem>> -> memref<1000x32xf32, #tpu.memory_space<vmem>>
      %dma_start3A_50 = arith.constant 0 : i32
      %dma_start3A_51 = tpu.memref_slice %arg5[%dma_start3A_44, %dma_start3A_50] : memref<2x1000xi32, #tpu.memory_space<vmem>> -> memref<1x1000xi32, #tpu.memory_space<vmem>>
      %dma_start3A_52 = tpu.memref_squeeze %dma_start3A_51 : memref<1x1000xi32, #tpu.memory_space<vmem>> -> memref<1000xi32, #tpu.memory_space<vmem>>
      %dma_start3A_53 = arith.constant 0 : i32
      %dma_start3A_54 = arith.constant 0 : i32
      %dma_start3A_55 = tpu.memref_slice %arg3[%dma_start3A_53, %dma_start3A_54] : memref<50000x32xf32, #tpu.memory_space<hbm>> -> memref<50000x32xf32, #tpu.memory_space<hbm>>
      tpu.enqueue_indirect_dma source(%dma_start3A_55 : memref<50000x32xf32, #tpu.memory_space<hbm>>) target(%dma_start3A_49 : memref<1000x32xf32, #tpu.memory_space<vmem>>) offsets(%dma_start3A_52 : memref<1000xi32, #tpu.memory_space<vmem>>) semaphore(%arg8 : memref<!tpu.dma_semaphore, #tpu.memory_space<semaphore_mem>>)
      %dma_wait3A_56 = arith.constant 0 : i32
      %dma_wait3A_57 = arith.constant 0 : i32
      %dma_wait3A_58 = arith.constant 0 : i32
      %dma_wait3A_59 = arith.constant 0 : i32
      %dma_wait3A_60 = tpu.memref_slice %arg6[%dma_wait3A_57, %dma_wait3A_58, %dma_wait3A_59] : memref<2x1000x32xf32, #tpu.memory_space<vmem>> -> memref<1x1000x32xf32, #tpu.memory_space<vmem>>
      %dma_wait3A_61 = tpu.memref_squeeze %dma_wait3A_60 : memref<1x1000x32xf32, #tpu.memory_space<vmem>> -> memref<1000x32xf32, #tpu.memory_space<vmem>>
      %dma_wait3A_62 = arith.constant 0 : i32
      %dma_wait3A_63 = tpu.memref_slice %arg5[%dma_wait3A_56, %dma_wait3A_62] : memref<2x1000xi32, #tpu.memory_space<vmem>> -> memref<1x1000xi32, #tpu.memory_space<vmem>>
      %dma_wait3A_64 = tpu.memref_squeeze %dma_wait3A_63 : memref<1x1000xi32, #tpu.memory_space<vmem>> -> memref<1000xi32, #tpu.memory_space<vmem>>
      %dma_wait3A_65 = arith.constant 0 : i32
      %dma_wait3A_66 = arith.constant 0 : i32
      %dma_wait3A_67 = tpu.memref_slice %arg3[%dma_wait3A_65, %dma_wait3A_66] : memref<50000x32xf32, #tpu.memory_space<hbm>> -> memref<50000x32xf32, #tpu.memory_space<hbm>>
      tpu.wait_indirect_dma semaphore(%arg7 : memref<!tpu.dma_semaphore, #tpu.memory_space<semaphore_mem>>) src(%dma_wait3A_67 : memref<50000x32xf32, #tpu.memory_space<hbm>>) dst(%dma_wait3A_61 : memref<1000x32xf32, #tpu.memory_space<vmem>>)
      %mul3A_68 = arith.constant 1000 : i32
      %mul3A_69 = arith.muli %mul3A_37, %mul3A_68 : i32
      %add3A_70 = arith.addi %mul3A_2, %mul3A_69 : i32
      %run_scoped3A_71 = arith.constant 0 : i32
      "tpu.region"() ({
        %run_scoped3A_108 = tpu.sem_alloc : memref<!tpu.dma_semaphore, #tpu.memory_space<semaphore_mem>>
        %dma_start3A_109 = arith.constant 0 : i32
        %dma_start3A_110 = arith.constant 0 : i32
        %dma_start3A_111 = tpu.memref_slice %arg6[%run_scoped3A_71, %dma_start3A_109, %dma_start3A_110] : memref<2x1000x32xf32, #tpu.memory_space<vmem>> -> memref<1x1000x32xf32, #tpu.memory_space<vmem>>
        %dma_start3A_112 = tpu.memref_squeeze %dma_start3A_111 : memref<1x1000x32xf32, #tpu.memory_space<vmem>> -> memref<1000x32xf32, #tpu.memory_space<vmem>>
        %dma_start3A_113 = arith.constant 0 : i32
        %dma_start3A_114 = tpu.memref_slice %arg4[%add3A_70, %dma_start3A_113] : memref<800000x32xf32, #tpu.memory_space<hbm>> -> memref<1000x32xf32, #tpu.memory_space<hbm>>
        %dma_start3A_115 = arith.constant 0 : i32
        %dma_start3A_116 = tpu.memref_slice %arg4[%add3A_70, %dma_start3A_115] : memref<800000x32xf32, #tpu.memory_space<hbm>> -> memref<1000x32xf32, #tpu.memory_space<hbm>>
        %dma_start3A_117 = arith.constant 0 : i32
        %dma_start3A_118 = arith.constant 0 : i32
        %dma_start3A_119 = tpu.memref_slice %arg6[%run_scoped3A_71, %dma_start3A_117, %dma_start3A_118] : memref<2x1000x32xf32, #tpu.memory_space<vmem>> -> memref<1x1000x32xf32, #tpu.memory_space<vmem>>
        %dma_start3A_120 = tpu.memref_squeeze %dma_start3A_119 : memref<1x1000x32xf32, #tpu.memory_space<vmem>> -> memref<1000x32xf32, #tpu.memory_space<vmem>>
        tpu.enqueue_dma source(%dma_start3A_120 : memref<1000x32xf32, #tpu.memory_space<vmem>>) target(%dma_start3A_116 : memref<1000x32xf32, #tpu.memory_space<hbm>>) target_semaphore(%run_scoped3A_108 : memref<!tpu.dma_semaphore, #tpu.memory_space<semaphore_mem>>)
        %dma_wait3A_121 = arith.constant 0 : i32
        %dma_wait3A_122 = arith.constant 0 : i32
        %dma_wait3A_123 = tpu.memref_slice %arg6[%run_scoped3A_71, %dma_wait3A_121, %dma_wait3A_122] : memref<2x1000x32xf32, #tpu.memory_space<vmem>> -> memref<1x1000x32xf32, #tpu.memory_space<vmem>>
        %dma_wait3A_124 = tpu.memref_squeeze %dma_wait3A_123 : memref<1x1000x32xf32, #tpu.memory_space<vmem>> -> memref<1000x32xf32, #tpu.memory_space<vmem>>
        %dma_wait3A_125 = arith.constant 0 : i32
        %dma_wait3A_126 = tpu.memref_slice %arg4[%add3A_70, %dma_wait3A_125] : memref<800000x32xf32, #tpu.memory_space<hbm>> -> memref<1000x32xf32, #tpu.memory_space<hbm>>
        %dma_wait3A_127 = arith.constant 0 : i32
        %dma_wait3A_128 = tpu.memref_slice %arg4[%add3A_70, %dma_wait3A_127] : memref<800000x32xf32, #tpu.memory_space<hbm>> -> memref<1000x32xf32, #tpu.memory_space<hbm>>
        %dma_wait3A_129 = arith.constant 0 : i32
        %dma_wait3A_130 = arith.constant 0 : i32
        %dma_wait3A_131 = tpu.memref_slice %arg6[%run_scoped3A_71, %dma_wait3A_129, %dma_wait3A_130] : memref<2x1000x32xf32, #tpu.memory_space<vmem>> -> memref<1x1000x32xf32, #tpu.memory_space<vmem>>
        %dma_wait3A_132 = tpu.memref_squeeze %dma_wait3A_131 : memref<1x1000x32xf32, #tpu.memory_space<vmem>> -> memref<1000x32xf32, #tpu.memory_space<vmem>>
        tpu.wait_dma2 semaphore(%run_scoped3A_108 : memref<!tpu.dma_semaphore, #tpu.memory_space<semaphore_mem>>) src(%dma_wait3A_132 : memref<1000x32xf32, #tpu.memory_space<vmem>>) dst(%dma_wait3A_128 : memref<1000x32xf32, #tpu.memory_space<hbm>>)
        tpu.yield
      }) : () -> ()
      %add3A_72 = arith.constant 2 : i32
      %add3A_73 = arith.addi %mul3A_37, %add3A_72 : i32
      %mul3A_74 = arith.constant 1000 : i32
      %mul3A_75 = arith.muli %add3A_73, %mul3A_74 : i32
      %add3A_76 = arith.addi %mul3A_2, %mul3A_75 : i32
      %run_scoped3A_77 = arith.constant 0 : i32
      "tpu.region"() ({
        %run_scoped3A_108 = tpu.sem_alloc : memref<!tpu.dma_semaphore, #tpu.memory_space<semaphore_mem>>
        %dma_start3A_109 = arith.constant 0 : i32
        %dma_start3A_110 = tpu.memref_slice %arg5[%run_scoped3A_77, %dma_start3A_109] : memref<2x1000xi32, #tpu.memory_space<vmem>> -> memref<1x1000xi32, #tpu.memory_space<vmem>>
        %dma_start3A_111 = tpu.memref_squeeze %dma_start3A_110 : memref<1x1000xi32, #tpu.memory_space<vmem>> -> memref<1000xi32, #tpu.memory_space<vmem>>
        %dma_start3A_112 = tpu.memref_slice %arg2[%add3A_76] : memref<800000xi32, #tpu.memory_space<hbm>> -> memref<1000xi32, #tpu.memory_space<hbm>>
        %dma_start3A_113 = arith.constant 0 : i32
        %dma_start3A_114 = tpu.memref_slice %arg5[%run_scoped3A_77, %dma_start3A_113] : memref<2x1000xi32, #tpu.memory_space<vmem>> -> memref<1x1000xi32, #tpu.memory_space<vmem>>
        %dma_start3A_115 = tpu.memref_squeeze %dma_start3A_114 : memref<1x1000xi32, #tpu.memory_space<vmem>> -> memref<1000xi32, #tpu.memory_space<vmem>>
        %dma_start3A_116 = tpu.memref_slice %arg2[%add3A_76] : memref<800000xi32, #tpu.memory_space<hbm>> -> memref<1000xi32, #tpu.memory_space<hbm>>
        tpu.enqueue_dma source(%dma_start3A_116 : memref<1000xi32, #tpu.memory_space<hbm>>) target(%dma_start3A_115 : memref<1000xi32, #tpu.memory_space<vmem>>) target_semaphore(%run_scoped3A_108 : memref<!tpu.dma_semaphore, #tpu.memory_space<semaphore_mem>>)
        %dma_wait3A_117 = arith.constant 0 : i32
        %dma_wait3A_118 = tpu.memref_slice %arg5[%run_scoped3A_77, %dma_wait3A_117] : memref<2x1000xi32, #tpu.memory_space<vmem>> -> memref<1x1000xi32, #tpu.memory_space<vmem>>
        %dma_wait3A_119 = tpu.memref_squeeze %dma_wait3A_118 : memref<1x1000xi32, #tpu.memory_space<vmem>> -> memref<1000xi32, #tpu.memory_space<vmem>>
        %dma_wait3A_120 = tpu.memref_slice %arg2[%add3A_76] : memref<800000xi32, #tpu.memory_space<hbm>> -> memref<1000xi32, #tpu.memory_space<hbm>>
        %dma_wait3A_121 = arith.constant 0 : i32
        %dma_wait3A_122 = tpu.memref_slice %arg5[%run_scoped3A_77, %dma_wait3A_121] : memref<2x1000xi32, #tpu.memory_space<vmem>> -> memref<1x1000xi32, #tpu.memory_space<vmem>>
        %dma_wait3A_123 = tpu.memref_squeeze %dma_wait3A_122 : memref<1x1000xi32, #tpu.memory_space<vmem>> -> memref<1000xi32, #tpu.memory_space<vmem>>
        %dma_wait3A_124 = tpu.memref_slice %arg2[%add3A_76] : memref<800000xi32, #tpu.memory_space<hbm>> -> memref<1000xi32, #tpu.memory_space<hbm>>
        tpu.wait_dma2 semaphore(%run_scoped3A_108 : memref<!tpu.dma_semaphore, #tpu.memory_space<semaphore_mem>>) src(%dma_wait3A_124 : memref<1000xi32, #tpu.memory_space<hbm>>) dst(%dma_wait3A_123 : memref<1000xi32, #tpu.memory_space<vmem>>)
        tpu.yield
      }) : () -> ()
      %dma_start3A_78 = arith.constant 0 : i32
      %dma_start3A_79 = arith.constant 0 : i32
      %dma_start3A_80 = arith.constant 0 : i32
      %dma_start3A_81 = arith.constant 0 : i32
      %dma_start3A_82 = tpu.memref_slice %arg6[%dma_start3A_79, %dma_start3A_80, %dma_start3A_81] : memref<2x1000x32xf32, #tpu.memory_space<vmem>> -> memref<1x1000x32xf32, #tpu.memory_space<vmem>>
      %dma_start3A_83 = tpu.memref_squeeze %dma_start3A_82 : memref<1x1000x32xf32, #tpu.memory_space<vmem>> -> memref<1000x32xf32, #tpu.memory_space<vmem>>
      %dma_start3A_84 = arith.constant 0 : i32
      %dma_start3A_85 = tpu.memref_slice %arg5[%dma_start3A_78, %dma_start3A_84] : memref<2x1000xi32, #tpu.memory_space<vmem>> -> memref<1x1000xi32, #tpu.memory_space<vmem>>
      %dma_start3A_86 = tpu.memref_squeeze %dma_start3A_85 : memref<1x1000xi32, #tpu.memory_space<vmem>> -> memref<1000xi32, #tpu.memory_space<vmem>>
      %dma_start3A_87 = arith.constant 0 : i32
      %dma_start3A_88 = arith.constant 0 : i32
      %dma_start3A_89 = tpu.memref_slice %arg3[%dma_start3A_87, %dma_start3A_88] : memref<50000x32xf32, #tpu.memory_space<hbm>> -> memref<50000x32xf32, #tpu.memory_space<hbm>>
      tpu.enqueue_indirect_dma source(%dma_start3A_89 : memref<50000x32xf32, #tpu.memory_space<hbm>>) target(%dma_start3A_83 : memref<1000x32xf32, #tpu.memory_space<vmem>>) offsets(%dma_start3A_86 : memref<1000xi32, #tpu.memory_space<vmem>>) semaphore(%arg7 : memref<!tpu.dma_semaphore, #tpu.memory_space<semaphore_mem>>)
      %add3A_90 = arith.constant 1 : i32
      %add3A_91 = arith.addi %mul3A_37, %add3A_90 : i32
      %dma_wait3A_92 = arith.constant 1 : i32
      %dma_wait3A_93 = arith.constant 1 : i32
      %dma_wait3A_94 = arith.constant 0 : i32
      %dma_wait3A_95 = arith.constant 0 : i32
      %dma_wait3A_96 = tpu.memref_slice %arg6[%dma_wait3A_93, %dma_wait3A_94, %dma_wait3A_95] : memref<2x1000x32xf32, #tpu.memory_space<vmem>> -> memref<1x1000x32xf32, #tpu.memory_space<vmem>>
      %dma_wait3A_97 = tpu.memref_squeeze %dma_wait3A_96 : memref<1x1000x32xf32, #tpu.memory_space<vmem>> -> memref<1000x32xf32, #tpu.memory_space<vmem>>
      %dma_wait3A_98 = arith.constant 0 : i32
      %dma_wait3A_99 = tpu.memref_slice %arg5[%dma_wait3A_92, %dma_wait3A_98] : memref<2x1000xi32, #tpu.memory_space<vmem>> -> memref<1x1000xi32, #tpu.memory_space<vmem>>
      %dma_wait3A_100 = tpu.memref_squeeze %dma_wait3A_99 : memref<1x1000xi32, #tpu.memory_space<vmem>> -> memref<1000xi32, #tpu.memory_space<vmem>>
      %dma_wait3A_101 = arith.constant 0 : i32
      %dma_wait3A_102 = arith.constant 0 : i32
      %dma_wait3A_103 = tpu.memref_slice %arg3[%dma_wait3A_101, %dma_wait3A_102] : memref<50000x32xf32, #tpu.memory_space<hbm>> -> memref<50000x32xf32, #tpu.memory_space<hbm>>
      tpu.wait_indirect_dma semaphore(%arg8 : memref<!tpu.dma_semaphore, #tpu.memory_space<semaphore_mem>>) src(%dma_wait3A_103 : memref<50000x32xf32, #tpu.memory_space<hbm>>) dst(%dma_wait3A_97 : memref<1000x32xf32, #tpu.memory_space<vmem>>)
      %mul3A_104 = arith.constant 1000 : i32
      %mul3A_105 = arith.muli %add3A_91, %mul3A_104 : i32
      %add3A_106 = arith.addi %mul3A_2, %mul3A_105 : i32
      %run_scoped3A_107 = arith.constant 1 : i32
      "tpu.region"() ({
        %run_scoped3A_108 = tpu.sem_alloc : memref<!tpu.dma_semaphore, #tpu.memory_space<semaphore_mem>>
        %dma_start3A_109 = arith.constant 0 : i32
        %dma_start3A_110 = arith.constant 0 : i32
        %dma_start3A_111 = tpu.memref_slice %arg6[%run_scoped3A_107, %dma_start3A_109, %dma_start3A_110] : memref<2x1000x32xf32, #tpu.memory_space<vmem>> -> memref<1x1000x32xf32, #tpu.memory_space<vmem>>
        %dma_start3A_112 = tpu.memref_squeeze %dma_start3A_111 : memref<1x1000x32xf32, #tpu.memory_space<vmem>> -> memref<1000x32xf32, #tpu.memory_space<vmem>>
        %dma_start3A_113 = arith.constant 0 : i32
        %dma_start3A_114 = tpu.memref_slice %arg4[%add3A_106, %dma_start3A_113] : memref<800000x32xf32, #tpu.memory_space<hbm>> -> memref<1000x32xf32, #tpu.memory_space<hbm>>
        %dma_start3A_115 = arith.constant 0 : i32
        %dma_start3A_116 = tpu.memref_slice %arg4[%add3A_106, %dma_start3A_115] : memref<800000x32xf32, #tpu.memory_space<hbm>> -> memref<1000x32xf32, #tpu.memory_space<hbm>>
        %dma_start3A_117 = arith.constant 0 : i32
        %dma_start3A_118 = arith.constant 0 : i32
        %dma_start3A_119 = tpu.memref_slice %arg6[%run_scoped3A_107, %dma_start3A_117, %dma_start3A_118] : memref<2x1000x32xf32, #tpu.memory_space<vmem>> -> memref<1x1000x32xf32, #tpu.memory_space<vmem>>
        %dma_start3A_120 = tpu.memref_squeeze %dma_start3A_119 : memref<1x1000x32xf32, #tpu.memory_space<vmem>> -> memref<1000x32xf32, #tpu.memory_space<vmem>>
        tpu.enqueue_dma source(%dma_start3A_120 : memref<1000x32xf32, #tpu.memory_space<vmem>>) target(%dma_start3A_116 : memref<1000x32xf32, #tpu.memory_space<hbm>>) target_semaphore(%run_scoped3A_108 : memref<!tpu.dma_semaphore, #tpu.memory_space<semaphore_mem>>)
        %dma_wait3A_121 = arith.constant 0 : i32
        %dma_wait3A_122 = arith.constant 0 : i32
        %dma_wait3A_123 = tpu.memref_slice %arg6[%run_scoped3A_107, %dma_wait3A_121, %dma_wait3A_122] : memref<2x1000x32xf32, #tpu.memory_space<vmem>> -> memref<1x1000x32xf32, #tpu.memory_space<vmem>>
        %dma_wait3A_124 = tpu.memref_squeeze %dma_wait3A_123 : memref<1x1000x32xf32, #tpu.memory_space<vmem>> -> memref<1000x32xf32, #tpu.memory_space<vmem>>
        %dma_wait3A_125 = arith.constant 0 : i32
        %dma_wait3A_126 = tpu.memref_slice %arg4[%add3A_106, %dma_wait3A_125] : memref<800000x32xf32, #tpu.memory_space<hbm>> -> memref<1000x32xf32, #tpu.memory_space<hbm>>
        %dma_wait3A_127 = arith.constant 0 : i32
        %dma_wait3A_128 = tpu.memref_slice %arg4[%add3A_106, %dma_wait3A_127] : memref<800000x32xf32, #tpu.memory_space<hbm>> -> memref<1000x32xf32, #tpu.memory_space<hbm>>
        %dma_wait3A_129 = arith.constant 0 : i32
        %dma_wait3A_130 = arith.constant 0 : i32
        %dma_wait3A_131 = tpu.memref_slice %arg6[%run_scoped3A_107, %dma_wait3A_129, %dma_wait3A_130] : memref<2x1000x32xf32, #tpu.memory_space<vmem>> -> memref<1x1000x32xf32, #tpu.memory_space<vmem>>
        %dma_wait3A_132 = tpu.memref_squeeze %dma_wait3A_131 : memref<1x1000x32xf32, #tpu.memory_space<vmem>> -> memref<1000x32xf32, #tpu.memory_space<vmem>>
        tpu.wait_dma2 semaphore(%run_scoped3A_108 : memref<!tpu.dma_semaphore, #tpu.memory_space<semaphore_mem>>) src(%dma_wait3A_132 : memref<1000x32xf32, #tpu.memory_space<vmem>>) dst(%dma_wait3A_128 : memref<1000x32xf32, #tpu.memory_space<hbm>>)
        tpu.yield
      }) : () -> ()
    }
    %scan3A_20 = arith.constant 12 : i32
    %dma_wait3A = arith.constant 0 : i32
    %dma_wait3A_21 = arith.constant 0 : i32
    %dma_wait3A_22 = arith.constant 0 : i32
    %dma_wait3A_23 = arith.constant 0 : i32
    %dma_wait3A_24 = tpu.memref_slice %arg6[%dma_wait3A_21, %dma_wait3A_22, %dma_wait3A_23] : memref<2x1000x32xf32, #tpu.memory_space<vmem>> -> memref<1x1000x32xf32, #tpu.memory_space<vmem>>
    %dma_wait3A_25 = tpu.memref_squeeze %dma_wait3A_24 : memref<1x1000x32xf32, #tpu.memory_space<vmem>> -> memref<1000x32xf32, #tpu.memory_space<vmem>>
    %dma_wait3A_26 = arith.constant 0 : i32
    %dma_wait3A_27 = tpu.memref_slice %arg5[%dma_wait3A, %dma_wait3A_26] : memref<2x1000xi32, #tpu.memory_space<vmem>> -> memref<1x1000xi32, #tpu.memory_space<vmem>>
    %dma_wait3A_28 = tpu.memref_squeeze %dma_wait3A_27 : memref<1x1000xi32, #tpu.memory_space<vmem>> -> memref<1000xi32, #tpu.memory_space<vmem>>
    %dma_wait3A_29 = arith.constant 0 : i32
    %dma_wait3A_30 = arith.constant 0 : i32
    %dma_wait3A_31 = tpu.memref_slice %arg3[%dma_wait3A_29, %dma_wait3A_30] : memref<50000x32xf32, #tpu.memory_space<hbm>> -> memref<50000x32xf32, #tpu.memory_space<hbm>>
    tpu.wait_indirect_dma semaphore(%arg7 : memref<!tpu.dma_semaphore, #tpu.memory_space<semaphore_mem>>) src(%dma_wait3A_31 : memref<50000x32xf32, #tpu.memory_space<hbm>>) dst(%dma_wait3A_25 : memref<1000x32xf32, #tpu.memory_space<vmem>>)
    %add3A_32 = arith.constant 24000 : i32
    %add3A_33 = arith.addi %mul3A_2, %add3A_32 : i32
    %run_scoped3A_34 = arith.constant 0 : i32
    "tpu.region"() ({
      %run_scoped3A_35 = tpu.sem_alloc : memref<!tpu.dma_semaphore, #tpu.memory_space<semaphore_mem>>
      %dma_start3A_36 = arith.constant 0 : i32
      %dma_start3A_37 = arith.constant 0 : i32
      %dma_start3A_38 = tpu.memref_slice %arg6[%run_scoped3A_34, %dma_start3A_36, %dma_start3A_37] : memref<2x1000x32xf32, #tpu.memory_space<vmem>> -> memref<1x1000x32xf32, #tpu.memory_space<vmem>>
      %dma_start3A_39 = tpu.memref_squeeze %dma_start3A_38 : memref<1x1000x32xf32, #tpu.memory_space<vmem>> -> memref<1000x32xf32, #tpu.memory_space<vmem>>
      %dma_start3A_40 = arith.constant 0 : i32
      %dma_start3A_41 = tpu.memref_slice %arg4[%add3A_33, %dma_start3A_40] : memref<800000x32xf32, #tpu.memory_space<hbm>> -> memref<1000x32xf32, #tpu.memory_space<hbm>>
      %dma_start3A_42 = arith.constant 0 : i32
      %dma_start3A_43 = tpu.memref_slice %arg4[%add3A_33, %dma_start3A_42] : memref<800000x32xf32, #tpu.memory_space<hbm>> -> memref<1000x32xf32, #tpu.memory_space<hbm>>
      %dma_start3A_44 = arith.constant 0 : i32
      %dma_start3A_45 = arith.constant 0 : i32
      %dma_start3A_46 = tpu.memref_slice %arg6[%run_scoped3A_34, %dma_start3A_44, %dma_start3A_45] : memref<2x1000x32xf32, #tpu.memory_space<vmem>> -> memref<1x1000x32xf32, #tpu.memory_space<vmem>>
      %dma_start3A_47 = tpu.memref_squeeze %dma_start3A_46 : memref<1x1000x32xf32, #tpu.memory_space<vmem>> -> memref<1000x32xf32, #tpu.memory_space<vmem>>
      tpu.enqueue_dma source(%dma_start3A_47 : memref<1000x32xf32, #tpu.memory_space<vmem>>) target(%dma_start3A_43 : memref<1000x32xf32, #tpu.memory_space<hbm>>) target_semaphore(%run_scoped3A_35 : memref<!tpu.dma_semaphore, #tpu.memory_space<semaphore_mem>>)
      %dma_wait3A_48 = arith.constant 0 : i32
      %dma_wait3A_49 = arith.constant 0 : i32
      %dma_wait3A_50 = tpu.memref_slice %arg6[%run_scoped3A_34, %dma_wait3A_48, %dma_wait3A_49] : memref<2x1000x32xf32, #tpu.memory_space<vmem>> -> memref<1x1000x32xf32, #tpu.memory_space<vmem>>
      %dma_wait3A_51 = tpu.memref_squeeze %dma_wait3A_50 : memref<1x1000x32xf32, #tpu.memory_space<vmem>> -> memref<1000x32xf32, #tpu.memory_space<vmem>>
      %dma_wait3A_52 = arith.constant 0 : i32
      %dma_wait3A_53 = tpu.memref_slice %arg4[%add3A_33, %dma_wait3A_52] : memref<800000x32xf32, #tpu.memory_space<hbm>> -> memref<1000x32xf32, #tpu.memory_space<hbm>>
      %dma_wait3A_54 = arith.constant 0 : i32
      %dma_wait3A_55 = tpu.memref_slice %arg4[%add3A_33, %dma_wait3A_54] : memref<800000x32xf32, #tpu.memory_space<hbm>> -> memref<1000x32xf32, #tpu.memory_space<hbm>>
      %dma_wait3A_56 = arith.constant 0 : i32
      %dma_wait3A_57 = arith.constant 0 : i32
      %dma_wait3A_58 = tpu.memref_slice %arg6[%run_scoped3A_34, %dma_wait3A_56, %dma_wait3A_57] : memref<2x1000x32xf32, #tpu.memory_space<vmem>> -> memref<1x1000x32xf32, #tpu.memory_space<vmem>>
      %dma_wait3A_59 = tpu.memref_squeeze %dma_wait3A_58 : memref<1x1000x32xf32, #tpu.memory_space<vmem>> -> memref<1000x32xf32, #tpu.memory_space<vmem>>
      tpu.wait_dma2 semaphore(%run_scoped3A_35 : memref<!tpu.dma_semaphore, #tpu.memory_space<semaphore_mem>>) src(%dma_wait3A_59 : memref<1000x32xf32, #tpu.memory_space<vmem>>) dst(%dma_wait3A_55 : memref<1000x32xf32, #tpu.memory_space<hbm>>)
      tpu.yield
    }) : () -> ()
    return
  }
}

module attributes {stable_mosaic.version = 14 : i64} {
  func.func @_knn_body(%arg0: i32, %arg1: memref<125x2xi32, #tpu.memory_space<smem>>, %arg2: memref<400x8xf32, #tpu.memory_space<vmem>>, %arg3: memref<98x8x512xf32, #tpu.memory_space<vmem>>, %arg4: memref<400x16xi32, #tpu.memory_space<vmem>>) attributes {dimension_semantics = [#tpu.dimension_semantics<arbitrary>], iteration_bounds = array<i64: 125>, scalar_prefetch = 1 : i64, scratch_operands = 0 : i64, tpu.core_type = #tpu.core_type<tc>, window_params = [{transform_indices = @transform_0, window_bounds = array<i64: 400, 8>}, {pipeline_mode = #tpu.pipeline_mode<synchronous>, transform_indices = @transform_1, window_bounds = array<i64: 98, 8, 512>}, {transform_indices = @transform_2, window_bounds = array<i64: 400, 16>}]} {
    %get3A = arith.index_cast %arg0 : i32 to index
    %get3A_0 = arith.constant 0 : index
    %get3A_1 = memref.load %arg1[%get3A, %get3A_0] : memref<125x2xi32, #tpu.memory_space<smem>>
    %get3A_2 = arith.index_cast %arg0 : i32 to index
    %get3A_3 = arith.constant 1 : index
    %get3A_4 = memref.load %arg1[%get3A_2, %get3A_3] : memref<125x2xi32, #tpu.memory_space<smem>>
    %get3A_5 = arith.constant 0 : index
    %get3A_6 = arith.constant 0 : index
    %get3A_7 = vector.load %arg2[%get3A_5, %get3A_6] : memref<400x8xf32, #tpu.memory_space<vmem>>, vector<400x1xf32>
    %get3A_8 = arith.constant 0 : index
    %get3A_9 = arith.constant 1 : index
    %get3A_10 = vector.load %arg2[%get3A_8, %get3A_9] : memref<400x8xf32, #tpu.memory_space<vmem>>, vector<400x1xf32>
    %get3A_11 = arith.constant 0 : index
    %get3A_12 = arith.constant 2 : index
    %get3A_13 = vector.load %arg2[%get3A_11, %get3A_12] : memref<400x8xf32, #tpu.memory_space<vmem>>, vector<400x1xf32>
    %get3A_14 = arith.constant 0 : index
    %get3A_15 = arith.constant 3 : index
    %get3A_16 = vector.load %arg2[%get3A_14, %get3A_15] : memref<400x8xf32, #tpu.memory_space<vmem>>, vector<400x1xf32>
    %broadcast_in_dim3A = arith.constant 0x7F800000 : f32
    %broadcast_in_dim3A_17 = vector.broadcast %broadcast_in_dim3A : f32 to vector<400x16xf32>
    %broadcast_in_dim3A_18 = arith.constant 1.000000e+09 : f32
    %broadcast_in_dim3A_19 = vector.broadcast %broadcast_in_dim3A_18 : f32 to vector<400x16xf32>
    %while3A = arith.subi %get3A_4, %get3A_1 : i32
    %while3A_20 = arith.addi %get3A_1, %while3A : i32
    %while3A_21 = arith.constant 1 : i32
    %while3A_22 = arith.divsi %while3A, %while3A_21 : i32
    %while3A_23 = arith.muli %while3A_22, %while3A_21 : i32
    %while3A_24 = arith.addi %get3A_1, %while3A_23 : i32
    %while3A_25 = arith.constant 1 : i32
    %while3A_26:2 = scf.for %while3A_34 = %get3A_1 to %while3A_24 step %while3A_25 iter_args(%while3A_35 = %broadcast_in_dim3A_17, %while3A_36 = %broadcast_in_dim3A_19) -> (vector<400x16xf32>, vector<400x16xf32>)  : i32 {
      %get3A_37 = arith.index_cast %while3A_34 : i32 to index
      %get3A_38 = arith.constant 0 : index
      %get3A_39 = arith.constant 0 : index
      %get3A_40 = vector.load %arg3[%get3A_37, %get3A_38, %get3A_39] : memref<98x8x512xf32, #tpu.memory_space<vmem>>, vector<1x8x512xf32>
      %get3A_41 = vector.shape_cast %get3A_40 : vector<1x8x512xf32> to vector<8x512xf32>
      %slice3A = vector.extract_strided_slice %get3A_41 {offsets = [0, 0], sizes = [1, 512], strides = [1, 1]} : vector<8x512xf32> to vector<1x512xf32>
      %slice3A_42 = vector.extract_strided_slice %get3A_41 {offsets = [1, 0], sizes = [1, 512], strides = [1, 1]} : vector<8x512xf32> to vector<1x512xf32>
      %slice3A_43 = vector.extract_strided_slice %get3A_41 {offsets = [2, 0], sizes = [1, 512], strides = [1, 1]} : vector<8x512xf32> to vector<1x512xf32>
      %slice3A_44 = vector.extract_strided_slice %get3A_41 {offsets = [3, 0], sizes = [1, 512], strides = [1, 1]} : vector<8x512xf32> to vector<1x512xf32>
      %sub3A = vector.broadcast %get3A_7 : vector<400x1xf32> to vector<400x512xf32>
      %sub3A_45 = vector.broadcast %slice3A : vector<1x512xf32> to vector<400x512xf32>
      %sub3A_46 = arith.subf %sub3A, %sub3A_45 : vector<400x512xf32>
      %sub3A_47 = vector.broadcast %get3A_10 : vector<400x1xf32> to vector<400x512xf32>
      %sub3A_48 = vector.broadcast %slice3A_42 : vector<1x512xf32> to vector<400x512xf32>
      %sub3A_49 = arith.subf %sub3A_47, %sub3A_48 : vector<400x512xf32>
      %sub3A_50 = vector.broadcast %get3A_13 : vector<400x1xf32> to vector<400x512xf32>
      %sub3A_51 = vector.broadcast %slice3A_43 : vector<1x512xf32> to vector<400x512xf32>
      %sub3A_52 = arith.subf %sub3A_50, %sub3A_51 : vector<400x512xf32>
      %mul3A = arith.mulf %sub3A_46, %sub3A_46 : vector<400x512xf32>
      %mul3A_53 = arith.mulf %sub3A_49, %sub3A_49 : vector<400x512xf32>
      %add3A = arith.addf %mul3A, %mul3A_53 : vector<400x512xf32>
      %mul3A_54 = arith.mulf %sub3A_52, %sub3A_52 : vector<400x512xf32>
      %add3A_55 = arith.addf %add3A, %mul3A_54 : vector<400x512xf32>
      %eq3A = vector.broadcast %get3A_16 : vector<400x1xf32> to vector<400x512xf32>
      %eq3A_56 = vector.broadcast %slice3A_44 : vector<1x512xf32> to vector<400x512xf32>
      %eq3A_57 = arith.cmpf oeq, %eq3A, %eq3A_56 : vector<400x512xf32>
      %jit3A_58 = arith.constant 0x7F800000 : f32
      %broadcast_in_dim3A_59 = vector.broadcast %jit3A_58 : f32 to vector<400x512xf32>
      %select_n3A = arith.select %eq3A_57, %add3A_55, %broadcast_in_dim3A_59 : vector<400x512xi1>, vector<400x512xf32>
      %iota3A = tpu.iota {dimensions = array<i32: 1>} : vector<400x512xi32>
      %convert_element_type3A_60 = arith.sitofp %iota3A : vector<400x512xi32> to vector<400x512xf32>
      %convert_element_type3A_61 = arith.sitofp %while3A_34 : i32 to f32
      %mul3A_62 = arith.constant 5.120000e+02 : f32
      %mul3A_63 = arith.mulf %convert_element_type3A_61, %mul3A_62 : f32
      %add3A_64 = vector.broadcast %mul3A_63 : f32 to vector<400x512xf32>
      %add3A_65 = arith.addf %convert_element_type3A_60, %add3A_64 : vector<400x512xf32>
      %concatenate3A = tpu.concatenate %while3A_35, %select_n3A in 1 : vector<400x16xf32>, vector<400x512xf32> -> vector<400x528xf32>
      %concatenate3A_66 = tpu.concatenate %while3A_36, %add3A_65 in 1 : vector<400x16xf32>, vector<400x512xf32> -> vector<400x528xf32>
      %reduce_min3A = arith.constant dense<0x7F800000> : vector<400xf32>
      %reduce_min3A_67 = vector.multi_reduction <minimumf>, %concatenate3A, %reduce_min3A [1] : vector<400x528xf32> to vector<400xf32>
      %broadcast_in_dim3A_68 = vector.shape_cast %reduce_min3A_67 : vector<400xf32> to vector<400x1xf32>
      %eq3A_69 = vector.broadcast %broadcast_in_dim3A_68 : vector<400x1xf32> to vector<400x528xf32>
      %eq3A_70 = arith.cmpf oeq, %concatenate3A, %eq3A_69 : vector<400x528xf32>
      %jit3A_71 = arith.constant 1.000000e+09 : f32
      %broadcast_in_dim3A_72 = vector.broadcast %jit3A_71 : f32 to vector<400x528xf32>
      %select_n3A_73 = arith.select %eq3A_70, %concatenate3A_66, %broadcast_in_dim3A_72 : vector<400x528xi1>, vector<400x528xf32>
      %reduce_min3A_74 = arith.constant dense<0x7F800000> : vector<400xf32>
      %reduce_min3A_75 = vector.multi_reduction <minimumf>, %select_n3A_73, %reduce_min3A_74 [1] : vector<400x528xf32> to vector<400xf32>
      %broadcast_in_dim3A_76 = vector.shape_cast %reduce_min3A_75 : vector<400xf32> to vector<400x1xf32>
      %eq3A_77 = vector.broadcast %broadcast_in_dim3A_76 : vector<400x1xf32> to vector<400x528xf32>
      %eq3A_78 = arith.cmpf oeq, %concatenate3A_66, %eq3A_77 : vector<400x528xf32>
      %jit3A_79 = arith.constant 0x7F800000 : f32
      %broadcast_in_dim3A_80 = vector.broadcast %jit3A_79 : f32 to vector<400x528xf32>
      %select_n3A_81 = arith.select %eq3A_78, %broadcast_in_dim3A_80, %concatenate3A : vector<400x528xi1>, vector<400x528xf32>
      %reduce_min3A_82 = arith.constant dense<0x7F800000> : vector<400xf32>
      %reduce_min3A_83 = vector.multi_reduction <minimumf>, %select_n3A_81, %reduce_min3A_82 [1] : vector<400x528xf32> to vector<400xf32>
      %broadcast_in_dim3A_84 = vector.shape_cast %reduce_min3A_83 : vector<400xf32> to vector<400x1xf32>
      %eq3A_85 = vector.broadcast %broadcast_in_dim3A_84 : vector<400x1xf32> to vector<400x528xf32>
      %eq3A_86 = arith.cmpf oeq, %select_n3A_81, %eq3A_85 : vector<400x528xf32>
      %jit3A_87 = arith.constant 1.000000e+09 : f32
      %broadcast_in_dim3A_88 = vector.broadcast %jit3A_87 : f32 to vector<400x528xf32>
      %select_n3A_89 = arith.select %eq3A_86, %concatenate3A_66, %broadcast_in_dim3A_88 : vector<400x528xi1>, vector<400x528xf32>
      %reduce_min3A_90 = arith.constant dense<0x7F800000> : vector<400xf32>
      %reduce_min3A_91 = vector.multi_reduction <minimumf>, %select_n3A_89, %reduce_min3A_90 [1] : vector<400x528xf32> to vector<400xf32>
      %broadcast_in_dim3A_92 = vector.shape_cast %reduce_min3A_91 : vector<400xf32> to vector<400x1xf32>
      %eq3A_93 = vector.broadcast %broadcast_in_dim3A_92 : vector<400x1xf32> to vector<400x528xf32>
      %eq3A_94 = arith.cmpf oeq, %concatenate3A_66, %eq3A_93 : vector<400x528xf32>
      %jit3A_95 = arith.constant 0x7F800000 : f32
      %broadcast_in_dim3A_96 = vector.broadcast %jit3A_95 : f32 to vector<400x528xf32>
      %select_n3A_97 = arith.select %eq3A_94, %broadcast_in_dim3A_96, %select_n3A_81 : vector<400x528xi1>, vector<400x528xf32>
      %reduce_min3A_98 = arith.constant dense<0x7F800000> : vector<400xf32>
      %reduce_min3A_99 = vector.multi_reduction <minimumf>, %select_n3A_97, %reduce_min3A_98 [1] : vector<400x528xf32> to vector<400xf32>
      %broadcast_in_dim3A_100 = vector.shape_cast %reduce_min3A_99 : vector<400xf32> to vector<400x1xf32>
      %eq3A_101 = vector.broadcast %broadcast_in_dim3A_100 : vector<400x1xf32> to vector<400x528xf32>
      %eq3A_102 = arith.cmpf oeq, %select_n3A_97, %eq3A_101 : vector<400x528xf32>
      %jit3A_103 = arith.constant 1.000000e+09 : f32
      %broadcast_in_dim3A_104 = vector.broadcast %jit3A_103 : f32 to vector<400x528xf32>
      %select_n3A_105 = arith.select %eq3A_102, %concatenate3A_66, %broadcast_in_dim3A_104 : vector<400x528xi1>, vector<400x528xf32>
      %reduce_min3A_106 = arith.constant dense<0x7F800000> : vector<400xf32>
      %reduce_min3A_107 = vector.multi_reduction <minimumf>, %select_n3A_105, %reduce_min3A_106 [1] : vector<400x528xf32> to vector<400xf32>
      %broadcast_in_dim3A_108 = vector.shape_cast %reduce_min3A_107 : vector<400xf32> to vector<400x1xf32>
      %eq3A_109 = vector.broadcast %broadcast_in_dim3A_108 : vector<400x1xf32> to vector<400x528xf32>
      %eq3A_110 = arith.cmpf oeq, %concatenate3A_66, %eq3A_109 : vector<400x528xf32>
      %jit3A_111 = arith.constant 0x7F800000 : f32
      %broadcast_in_dim3A_112 = vector.broadcast %jit3A_111 : f32 to vector<400x528xf32>
      %select_n3A_113 = arith.select %eq3A_110, %broadcast_in_dim3A_112, %select_n3A_97 : vector<400x528xi1>, vector<400x528xf32>
      %reduce_min3A_114 = arith.constant dense<0x7F800000> : vector<400xf32>
      %reduce_min3A_115 = vector.multi_reduction <minimumf>, %select_n3A_113, %reduce_min3A_114 [1] : vector<400x528xf32> to vector<400xf32>
      %broadcast_in_dim3A_116 = vector.shape_cast %reduce_min3A_115 : vector<400xf32> to vector<400x1xf32>
      %eq3A_117 = vector.broadcast %broadcast_in_dim3A_116 : vector<400x1xf32> to vector<400x528xf32>
      %eq3A_118 = arith.cmpf oeq, %select_n3A_113, %eq3A_117 : vector<400x528xf32>
      %jit3A_119 = arith.constant 1.000000e+09 : f32
      %broadcast_in_dim3A_120 = vector.broadcast %jit3A_119 : f32 to vector<400x528xf32>
      %select_n3A_121 = arith.select %eq3A_118, %concatenate3A_66, %broadcast_in_dim3A_120 : vector<400x528xi1>, vector<400x528xf32>
      %reduce_min3A_122 = arith.constant dense<0x7F800000> : vector<400xf32>
      %reduce_min3A_123 = vector.multi_reduction <minimumf>, %select_n3A_121, %reduce_min3A_122 [1] : vector<400x528xf32> to vector<400xf32>
      %broadcast_in_dim3A_124 = vector.shape_cast %reduce_min3A_123 : vector<400xf32> to vector<400x1xf32>
      %eq3A_125 = vector.broadcast %broadcast_in_dim3A_124 : vector<400x1xf32> to vector<400x528xf32>
      %eq3A_126 = arith.cmpf oeq, %concatenate3A_66, %eq3A_125 : vector<400x528xf32>
      %jit3A_127 = arith.constant 0x7F800000 : f32
      %broadcast_in_dim3A_128 = vector.broadcast %jit3A_127 : f32 to vector<400x528xf32>
      %select_n3A_129 = arith.select %eq3A_126, %broadcast_in_dim3A_128, %select_n3A_113 : vector<400x528xi1>, vector<400x528xf32>
      %reduce_min3A_130 = arith.constant dense<0x7F800000> : vector<400xf32>
      %reduce_min3A_131 = vector.multi_reduction <minimumf>, %select_n3A_129, %reduce_min3A_130 [1] : vector<400x528xf32> to vector<400xf32>
      %broadcast_in_dim3A_132 = vector.shape_cast %reduce_min3A_131 : vector<400xf32> to vector<400x1xf32>
      %eq3A_133 = vector.broadcast %broadcast_in_dim3A_132 : vector<400x1xf32> to vector<400x528xf32>
      %eq3A_134 = arith.cmpf oeq, %select_n3A_129, %eq3A_133 : vector<400x528xf32>
      %jit3A_135 = arith.constant 1.000000e+09 : f32
      %broadcast_in_dim3A_136 = vector.broadcast %jit3A_135 : f32 to vector<400x528xf32>
      %select_n3A_137 = arith.select %eq3A_134, %concatenate3A_66, %broadcast_in_dim3A_136 : vector<400x528xi1>, vector<400x528xf32>
      %reduce_min3A_138 = arith.constant dense<0x7F800000> : vector<400xf32>
      %reduce_min3A_139 = vector.multi_reduction <minimumf>, %select_n3A_137, %reduce_min3A_138 [1] : vector<400x528xf32> to vector<400xf32>
      %broadcast_in_dim3A_140 = vector.shape_cast %reduce_min3A_139 : vector<400xf32> to vector<400x1xf32>
      %eq3A_141 = vector.broadcast %broadcast_in_dim3A_140 : vector<400x1xf32> to vector<400x528xf32>
      %eq3A_142 = arith.cmpf oeq, %concatenate3A_66, %eq3A_141 : vector<400x528xf32>
      %jit3A_143 = arith.constant 0x7F800000 : f32
      %broadcast_in_dim3A_144 = vector.broadcast %jit3A_143 : f32 to vector<400x528xf32>
      %select_n3A_145 = arith.select %eq3A_142, %broadcast_in_dim3A_144, %select_n3A_129 : vector<400x528xi1>, vector<400x528xf32>
      %reduce_min3A_146 = arith.constant dense<0x7F800000> : vector<400xf32>
      %reduce_min3A_147 = vector.multi_reduction <minimumf>, %select_n3A_145, %reduce_min3A_146 [1] : vector<400x528xf32> to vector<400xf32>
      %broadcast_in_dim3A_148 = vector.shape_cast %reduce_min3A_147 : vector<400xf32> to vector<400x1xf32>
      %eq3A_149 = vector.broadcast %broadcast_in_dim3A_148 : vector<400x1xf32> to vector<400x528xf32>
      %eq3A_150 = arith.cmpf oeq, %select_n3A_145, %eq3A_149 : vector<400x528xf32>
      %jit3A_151 = arith.constant 1.000000e+09 : f32
      %broadcast_in_dim3A_152 = vector.broadcast %jit3A_151 : f32 to vector<400x528xf32>
      %select_n3A_153 = arith.select %eq3A_150, %concatenate3A_66, %broadcast_in_dim3A_152 : vector<400x528xi1>, vector<400x528xf32>
      %reduce_min3A_154 = arith.constant dense<0x7F800000> : vector<400xf32>
      %reduce_min3A_155 = vector.multi_reduction <minimumf>, %select_n3A_153, %reduce_min3A_154 [1] : vector<400x528xf32> to vector<400xf32>
      %broadcast_in_dim3A_156 = vector.shape_cast %reduce_min3A_155 : vector<400xf32> to vector<400x1xf32>
      %eq3A_157 = vector.broadcast %broadcast_in_dim3A_156 : vector<400x1xf32> to vector<400x528xf32>
      %eq3A_158 = arith.cmpf oeq, %concatenate3A_66, %eq3A_157 : vector<400x528xf32>
      %jit3A_159 = arith.constant 0x7F800000 : f32
      %broadcast_in_dim3A_160 = vector.broadcast %jit3A_159 : f32 to vector<400x528xf32>
      %select_n3A_161 = arith.select %eq3A_158, %broadcast_in_dim3A_160, %select_n3A_145 : vector<400x528xi1>, vector<400x528xf32>
      %reduce_min3A_162 = arith.constant dense<0x7F800000> : vector<400xf32>
      %reduce_min3A_163 = vector.multi_reduction <minimumf>, %select_n3A_161, %reduce_min3A_162 [1] : vector<400x528xf32> to vector<400xf32>
      %broadcast_in_dim3A_164 = vector.shape_cast %reduce_min3A_163 : vector<400xf32> to vector<400x1xf32>
      %eq3A_165 = vector.broadcast %broadcast_in_dim3A_164 : vector<400x1xf32> to vector<400x528xf32>
      %eq3A_166 = arith.cmpf oeq, %select_n3A_161, %eq3A_165 : vector<400x528xf32>
      %jit3A_167 = arith.constant 1.000000e+09 : f32
      %broadcast_in_dim3A_168 = vector.broadcast %jit3A_167 : f32 to vector<400x528xf32>
      %select_n3A_169 = arith.select %eq3A_166, %concatenate3A_66, %broadcast_in_dim3A_168 : vector<400x528xi1>, vector<400x528xf32>
      %reduce_min3A_170 = arith.constant dense<0x7F800000> : vector<400xf32>
      %reduce_min3A_171 = vector.multi_reduction <minimumf>, %select_n3A_169, %reduce_min3A_170 [1] : vector<400x528xf32> to vector<400xf32>
      %broadcast_in_dim3A_172 = vector.shape_cast %reduce_min3A_171 : vector<400xf32> to vector<400x1xf32>
      %eq3A_173 = vector.broadcast %broadcast_in_dim3A_172 : vector<400x1xf32> to vector<400x528xf32>
      %eq3A_174 = arith.cmpf oeq, %concatenate3A_66, %eq3A_173 : vector<400x528xf32>
      %jit3A_175 = arith.constant 0x7F800000 : f32
      %broadcast_in_dim3A_176 = vector.broadcast %jit3A_175 : f32 to vector<400x528xf32>
      %select_n3A_177 = arith.select %eq3A_174, %broadcast_in_dim3A_176, %select_n3A_161 : vector<400x528xi1>, vector<400x528xf32>
      %reduce_min3A_178 = arith.constant dense<0x7F800000> : vector<400xf32>
      %reduce_min3A_179 = vector.multi_reduction <minimumf>, %select_n3A_177, %reduce_min3A_178 [1] : vector<400x528xf32> to vector<400xf32>
      %broadcast_in_dim3A_180 = vector.shape_cast %reduce_min3A_179 : vector<400xf32> to vector<400x1xf32>
      %eq3A_181 = vector.broadcast %broadcast_in_dim3A_180 : vector<400x1xf32> to vector<400x528xf32>
      %eq3A_182 = arith.cmpf oeq, %select_n3A_177, %eq3A_181 : vector<400x528xf32>
      %jit3A_183 = arith.constant 1.000000e+09 : f32
      %broadcast_in_dim3A_184 = vector.broadcast %jit3A_183 : f32 to vector<400x528xf32>
      %select_n3A_185 = arith.select %eq3A_182, %concatenate3A_66, %broadcast_in_dim3A_184 : vector<400x528xi1>, vector<400x528xf32>
      %reduce_min3A_186 = arith.constant dense<0x7F800000> : vector<400xf32>
      %reduce_min3A_187 = vector.multi_reduction <minimumf>, %select_n3A_185, %reduce_min3A_186 [1] : vector<400x528xf32> to vector<400xf32>
      %broadcast_in_dim3A_188 = vector.shape_cast %reduce_min3A_187 : vector<400xf32> to vector<400x1xf32>
      %eq3A_189 = vector.broadcast %broadcast_in_dim3A_188 : vector<400x1xf32> to vector<400x528xf32>
      %eq3A_190 = arith.cmpf oeq, %concatenate3A_66, %eq3A_189 : vector<400x528xf32>
      %jit3A_191 = arith.constant 0x7F800000 : f32
      %broadcast_in_dim3A_192 = vector.broadcast %jit3A_191 : f32 to vector<400x528xf32>
      %select_n3A_193 = arith.select %eq3A_190, %broadcast_in_dim3A_192, %select_n3A_177 : vector<400x528xi1>, vector<400x528xf32>
      %reduce_min3A_194 = arith.constant dense<0x7F800000> : vector<400xf32>
      %reduce_min3A_195 = vector.multi_reduction <minimumf>, %select_n3A_193, %reduce_min3A_194 [1] : vector<400x528xf32> to vector<400xf32>
      %broadcast_in_dim3A_196 = vector.shape_cast %reduce_min3A_195 : vector<400xf32> to vector<400x1xf32>
      %eq3A_197 = vector.broadcast %broadcast_in_dim3A_196 : vector<400x1xf32> to vector<400x528xf32>
      %eq3A_198 = arith.cmpf oeq, %select_n3A_193, %eq3A_197 : vector<400x528xf32>
      %jit3A_199 = arith.constant 1.000000e+09 : f32
      %broadcast_in_dim3A_200 = vector.broadcast %jit3A_199 : f32 to vector<400x528xf32>
      %select_n3A_201 = arith.select %eq3A_198, %concatenate3A_66, %broadcast_in_dim3A_200 : vector<400x528xi1>, vector<400x528xf32>
      %reduce_min3A_202 = arith.constant dense<0x7F800000> : vector<400xf32>
      %reduce_min3A_203 = vector.multi_reduction <minimumf>, %select_n3A_201, %reduce_min3A_202 [1] : vector<400x528xf32> to vector<400xf32>
      %broadcast_in_dim3A_204 = vector.shape_cast %reduce_min3A_203 : vector<400xf32> to vector<400x1xf32>
      %eq3A_205 = vector.broadcast %broadcast_in_dim3A_204 : vector<400x1xf32> to vector<400x528xf32>
      %eq3A_206 = arith.cmpf oeq, %concatenate3A_66, %eq3A_205 : vector<400x528xf32>
      %jit3A_207 = arith.constant 0x7F800000 : f32
      %broadcast_in_dim3A_208 = vector.broadcast %jit3A_207 : f32 to vector<400x528xf32>
      %select_n3A_209 = arith.select %eq3A_206, %broadcast_in_dim3A_208, %select_n3A_193 : vector<400x528xi1>, vector<400x528xf32>
      %reduce_min3A_210 = arith.constant dense<0x7F800000> : vector<400xf32>
      %reduce_min3A_211 = vector.multi_reduction <minimumf>, %select_n3A_209, %reduce_min3A_210 [1] : vector<400x528xf32> to vector<400xf32>
      %broadcast_in_dim3A_212 = vector.shape_cast %reduce_min3A_211 : vector<400xf32> to vector<400x1xf32>
      %eq3A_213 = vector.broadcast %broadcast_in_dim3A_212 : vector<400x1xf32> to vector<400x528xf32>
      %eq3A_214 = arith.cmpf oeq, %select_n3A_209, %eq3A_213 : vector<400x528xf32>
      %jit3A_215 = arith.constant 1.000000e+09 : f32
      %broadcast_in_dim3A_216 = vector.broadcast %jit3A_215 : f32 to vector<400x528xf32>
      %select_n3A_217 = arith.select %eq3A_214, %concatenate3A_66, %broadcast_in_dim3A_216 : vector<400x528xi1>, vector<400x528xf32>
      %reduce_min3A_218 = arith.constant dense<0x7F800000> : vector<400xf32>
      %reduce_min3A_219 = vector.multi_reduction <minimumf>, %select_n3A_217, %reduce_min3A_218 [1] : vector<400x528xf32> to vector<400xf32>
      %broadcast_in_dim3A_220 = vector.shape_cast %reduce_min3A_219 : vector<400xf32> to vector<400x1xf32>
      %eq3A_221 = vector.broadcast %broadcast_in_dim3A_220 : vector<400x1xf32> to vector<400x528xf32>
      %eq3A_222 = arith.cmpf oeq, %concatenate3A_66, %eq3A_221 : vector<400x528xf32>
      %jit3A_223 = arith.constant 0x7F800000 : f32
      %broadcast_in_dim3A_224 = vector.broadcast %jit3A_223 : f32 to vector<400x528xf32>
      %select_n3A_225 = arith.select %eq3A_222, %broadcast_in_dim3A_224, %select_n3A_209 : vector<400x528xi1>, vector<400x528xf32>
      %reduce_min3A_226 = arith.constant dense<0x7F800000> : vector<400xf32>
      %reduce_min3A_227 = vector.multi_reduction <minimumf>, %select_n3A_225, %reduce_min3A_226 [1] : vector<400x528xf32> to vector<400xf32>
      %broadcast_in_dim3A_228 = vector.shape_cast %reduce_min3A_227 : vector<400xf32> to vector<400x1xf32>
      %eq3A_229 = vector.broadcast %broadcast_in_dim3A_228 : vector<400x1xf32> to vector<400x528xf32>
      %eq3A_230 = arith.cmpf oeq, %select_n3A_225, %eq3A_229 : vector<400x528xf32>
      %jit3A_231 = arith.constant 1.000000e+09 : f32
      %broadcast_in_dim3A_232 = vector.broadcast %jit3A_231 : f32 to vector<400x528xf32>
      %select_n3A_233 = arith.select %eq3A_230, %concatenate3A_66, %broadcast_in_dim3A_232 : vector<400x528xi1>, vector<400x528xf32>
      %reduce_min3A_234 = arith.constant dense<0x7F800000> : vector<400xf32>
      %reduce_min3A_235 = vector.multi_reduction <minimumf>, %select_n3A_233, %reduce_min3A_234 [1] : vector<400x528xf32> to vector<400xf32>
      %broadcast_in_dim3A_236 = vector.shape_cast %reduce_min3A_235 : vector<400xf32> to vector<400x1xf32>
      %eq3A_237 = vector.broadcast %broadcast_in_dim3A_236 : vector<400x1xf32> to vector<400x528xf32>
      %eq3A_238 = arith.cmpf oeq, %concatenate3A_66, %eq3A_237 : vector<400x528xf32>
      %jit3A_239 = arith.constant 0x7F800000 : f32
      %broadcast_in_dim3A_240 = vector.broadcast %jit3A_239 : f32 to vector<400x528xf32>
      %select_n3A_241 = arith.select %eq3A_238, %broadcast_in_dim3A_240, %select_n3A_225 : vector<400x528xi1>, vector<400x528xf32>
      %reduce_min3A_242 = arith.constant dense<0x7F800000> : vector<400xf32>
      %reduce_min3A_243 = vector.multi_reduction <minimumf>, %select_n3A_241, %reduce_min3A_242 [1] : vector<400x528xf32> to vector<400xf32>
      %broadcast_in_dim3A_244 = vector.shape_cast %reduce_min3A_243 : vector<400xf32> to vector<400x1xf32>
      %eq3A_245 = vector.broadcast %broadcast_in_dim3A_244 : vector<400x1xf32> to vector<400x528xf32>
      %eq3A_246 = arith.cmpf oeq, %select_n3A_241, %eq3A_245 : vector<400x528xf32>
      %jit3A_247 = arith.constant 1.000000e+09 : f32
      %broadcast_in_dim3A_248 = vector.broadcast %jit3A_247 : f32 to vector<400x528xf32>
      %select_n3A_249 = arith.select %eq3A_246, %concatenate3A_66, %broadcast_in_dim3A_248 : vector<400x528xi1>, vector<400x528xf32>
      %reduce_min3A_250 = arith.constant dense<0x7F800000> : vector<400xf32>
      %reduce_min3A_251 = vector.multi_reduction <minimumf>, %select_n3A_249, %reduce_min3A_250 [1] : vector<400x528xf32> to vector<400xf32>
      %broadcast_in_dim3A_252 = vector.shape_cast %reduce_min3A_251 : vector<400xf32> to vector<400x1xf32>
      %eq3A_253 = vector.broadcast %broadcast_in_dim3A_252 : vector<400x1xf32> to vector<400x528xf32>
      %eq3A_254 = arith.cmpf oeq, %concatenate3A_66, %eq3A_253 : vector<400x528xf32>
      %jit3A_255 = arith.constant 0x7F800000 : f32
      %broadcast_in_dim3A_256 = vector.broadcast %jit3A_255 : f32 to vector<400x528xf32>
      %select_n3A_257 = arith.select %eq3A_254, %broadcast_in_dim3A_256, %select_n3A_241 : vector<400x528xi1>, vector<400x528xf32>
      %reduce_min3A_258 = arith.constant dense<0x7F800000> : vector<400xf32>
      %reduce_min3A_259 = vector.multi_reduction <minimumf>, %select_n3A_257, %reduce_min3A_258 [1] : vector<400x528xf32> to vector<400xf32>
      %broadcast_in_dim3A_260 = vector.shape_cast %reduce_min3A_259 : vector<400xf32> to vector<400x1xf32>
      %eq3A_261 = vector.broadcast %broadcast_in_dim3A_260 : vector<400x1xf32> to vector<400x528xf32>
      %eq3A_262 = arith.cmpf oeq, %select_n3A_257, %eq3A_261 : vector<400x528xf32>
      %jit3A_263 = arith.constant 1.000000e+09 : f32
      %broadcast_in_dim3A_264 = vector.broadcast %jit3A_263 : f32 to vector<400x528xf32>
      %select_n3A_265 = arith.select %eq3A_262, %concatenate3A_66, %broadcast_in_dim3A_264 : vector<400x528xi1>, vector<400x528xf32>
      %reduce_min3A_266 = arith.constant dense<0x7F800000> : vector<400xf32>
      %reduce_min3A_267 = vector.multi_reduction <minimumf>, %select_n3A_265, %reduce_min3A_266 [1] : vector<400x528xf32> to vector<400xf32>
      %broadcast_in_dim3A_268 = vector.shape_cast %reduce_min3A_267 : vector<400xf32> to vector<400x1xf32>
      %eq3A_269 = vector.broadcast %broadcast_in_dim3A_268 : vector<400x1xf32> to vector<400x528xf32>
      %eq3A_270 = arith.cmpf oeq, %concatenate3A_66, %eq3A_269 : vector<400x528xf32>
      %jit3A_271 = arith.constant 0x7F800000 : f32
      %broadcast_in_dim3A_272 = vector.broadcast %jit3A_271 : f32 to vector<400x528xf32>
      %select_n3A_273 = arith.select %eq3A_270, %broadcast_in_dim3A_272, %select_n3A_257 : vector<400x528xi1>, vector<400x528xf32>
      %reduce_min3A_274 = arith.constant dense<0x7F800000> : vector<400xf32>
      %reduce_min3A_275 = vector.multi_reduction <minimumf>, %select_n3A_273, %reduce_min3A_274 [1] : vector<400x528xf32> to vector<400xf32>
      %broadcast_in_dim3A_276 = vector.shape_cast %reduce_min3A_275 : vector<400xf32> to vector<400x1xf32>
      %eq3A_277 = vector.broadcast %broadcast_in_dim3A_276 : vector<400x1xf32> to vector<400x528xf32>
      %eq3A_278 = arith.cmpf oeq, %select_n3A_273, %eq3A_277 : vector<400x528xf32>
      %jit3A_279 = arith.constant 1.000000e+09 : f32
      %broadcast_in_dim3A_280 = vector.broadcast %jit3A_279 : f32 to vector<400x528xf32>
      %select_n3A_281 = arith.select %eq3A_278, %concatenate3A_66, %broadcast_in_dim3A_280 : vector<400x528xi1>, vector<400x528xf32>
      %reduce_min3A_282 = arith.constant dense<0x7F800000> : vector<400xf32>
      %reduce_min3A_283 = vector.multi_reduction <minimumf>, %select_n3A_281, %reduce_min3A_282 [1] : vector<400x528xf32> to vector<400xf32>
      %broadcast_in_dim3A_284 = vector.shape_cast %reduce_min3A_283 : vector<400xf32> to vector<400x1xf32>
      %eq3A_285 = vector.broadcast %broadcast_in_dim3A_284 : vector<400x1xf32> to vector<400x528xf32>
      %eq3A_286 = arith.cmpf oeq, %concatenate3A_66, %eq3A_285 : vector<400x528xf32>
      %jit3A_287 = arith.constant 0x7F800000 : f32
      %broadcast_in_dim3A_288 = vector.broadcast %jit3A_287 : f32 to vector<400x528xf32>
      %select_n3A_289 = arith.select %eq3A_286, %broadcast_in_dim3A_288, %select_n3A_273 : vector<400x528xi1>, vector<400x528xf32>
      %reduce_min3A_290 = arith.constant dense<0x7F800000> : vector<400xf32>
      %reduce_min3A_291 = vector.multi_reduction <minimumf>, %select_n3A_289, %reduce_min3A_290 [1] : vector<400x528xf32> to vector<400xf32>
      %broadcast_in_dim3A_292 = vector.shape_cast %reduce_min3A_291 : vector<400xf32> to vector<400x1xf32>
      %eq3A_293 = vector.broadcast %broadcast_in_dim3A_292 : vector<400x1xf32> to vector<400x528xf32>
      %eq3A_294 = arith.cmpf oeq, %select_n3A_289, %eq3A_293 : vector<400x528xf32>
      %jit3A_295 = arith.constant 1.000000e+09 : f32
      %broadcast_in_dim3A_296 = vector.broadcast %jit3A_295 : f32 to vector<400x528xf32>
      %select_n3A_297 = arith.select %eq3A_294, %concatenate3A_66, %broadcast_in_dim3A_296 : vector<400x528xi1>, vector<400x528xf32>
      %reduce_min3A_298 = arith.constant dense<0x7F800000> : vector<400xf32>
      %reduce_min3A_299 = vector.multi_reduction <minimumf>, %select_n3A_297, %reduce_min3A_298 [1] : vector<400x528xf32> to vector<400xf32>
      %broadcast_in_dim3A_300 = vector.shape_cast %reduce_min3A_299 : vector<400xf32> to vector<400x1xf32>
      %eq3A_301 = vector.broadcast %broadcast_in_dim3A_300 : vector<400x1xf32> to vector<400x528xf32>
      %eq3A_302 = arith.cmpf oeq, %concatenate3A_66, %eq3A_301 : vector<400x528xf32>
      %jit3A_303 = arith.constant 0x7F800000 : f32
      %broadcast_in_dim3A_304 = vector.broadcast %jit3A_303 : f32 to vector<400x528xf32>
      %select_n3A_305 = arith.select %eq3A_302, %broadcast_in_dim3A_304, %select_n3A_289 : vector<400x528xi1>, vector<400x528xf32>
      %reduce_min3A_306 = arith.constant dense<0x7F800000> : vector<400xf32>
      %reduce_min3A_307 = vector.multi_reduction <minimumf>, %select_n3A_305, %reduce_min3A_306 [1] : vector<400x528xf32> to vector<400xf32>
      %broadcast_in_dim3A_308 = vector.shape_cast %reduce_min3A_307 : vector<400xf32> to vector<400x1xf32>
      %eq3A_309 = vector.broadcast %broadcast_in_dim3A_308 : vector<400x1xf32> to vector<400x528xf32>
      %eq3A_310 = arith.cmpf oeq, %select_n3A_305, %eq3A_309 : vector<400x528xf32>
      %jit3A_311 = arith.constant 1.000000e+09 : f32
      %broadcast_in_dim3A_312 = vector.broadcast %jit3A_311 : f32 to vector<400x528xf32>
      %select_n3A_313 = arith.select %eq3A_310, %concatenate3A_66, %broadcast_in_dim3A_312 : vector<400x528xi1>, vector<400x528xf32>
      %reduce_min3A_314 = arith.constant dense<0x7F800000> : vector<400xf32>
      %reduce_min3A_315 = vector.multi_reduction <minimumf>, %select_n3A_313, %reduce_min3A_314 [1] : vector<400x528xf32> to vector<400xf32>
      %broadcast_in_dim3A_316 = vector.shape_cast %reduce_min3A_315 : vector<400xf32> to vector<400x1xf32>
      %eq3A_317 = vector.broadcast %broadcast_in_dim3A_316 : vector<400x1xf32> to vector<400x528xf32>
      %eq3A_318 = arith.cmpf oeq, %concatenate3A_66, %eq3A_317 : vector<400x528xf32>
      %jit3A_319 = arith.constant 0x7F800000 : f32
      %broadcast_in_dim3A_320 = vector.broadcast %jit3A_319 : f32 to vector<400x528xf32>
      %select_n3A_321 = arith.select %eq3A_318, %broadcast_in_dim3A_320, %select_n3A_305 : vector<400x528xi1>, vector<400x528xf32>
      %concatenate3A_322 = tpu.concatenate %broadcast_in_dim3A_68, %broadcast_in_dim3A_84, %broadcast_in_dim3A_100, %broadcast_in_dim3A_116, %broadcast_in_dim3A_132, %broadcast_in_dim3A_148, %broadcast_in_dim3A_164, %broadcast_in_dim3A_180, %broadcast_in_dim3A_196, %broadcast_in_dim3A_212, %broadcast_in_dim3A_228, %broadcast_in_dim3A_244, %broadcast_in_dim3A_260, %broadcast_in_dim3A_276, %broadcast_in_dim3A_292, %broadcast_in_dim3A_308 in 1 : vector<400x1xf32>, vector<400x1xf32>, vector<400x1xf32>, vector<400x1xf32>, vector<400x1xf32>, vector<400x1xf32>, vector<400x1xf32>, vector<400x1xf32>, vector<400x1xf32>, vector<400x1xf32>, vector<400x1xf32>, vector<400x1xf32>, vector<400x1xf32>, vector<400x1xf32>, vector<400x1xf32>, vector<400x1xf32> -> vector<400x16xf32>
      %concatenate3A_323 = tpu.concatenate %broadcast_in_dim3A_76, %broadcast_in_dim3A_92, %broadcast_in_dim3A_108, %broadcast_in_dim3A_124, %broadcast_in_dim3A_140, %broadcast_in_dim3A_156, %broadcast_in_dim3A_172, %broadcast_in_dim3A_188, %broadcast_in_dim3A_204, %broadcast_in_dim3A_220, %broadcast_in_dim3A_236, %broadcast_in_dim3A_252, %broadcast_in_dim3A_268, %broadcast_in_dim3A_284, %broadcast_in_dim3A_300, %broadcast_in_dim3A_316 in 1 : vector<400x1xf32>, vector<400x1xf32>, vector<400x1xf32>, vector<400x1xf32>, vector<400x1xf32>, vector<400x1xf32>, vector<400x1xf32>, vector<400x1xf32>, vector<400x1xf32>, vector<400x1xf32>, vector<400x1xf32>, vector<400x1xf32>, vector<400x1xf32>, vector<400x1xf32>, vector<400x1xf32>, vector<400x1xf32> -> vector<400x16xf32>
      scf.yield %concatenate3A_322, %concatenate3A_323 : vector<400x16xf32>, vector<400x16xf32>
    }
    %while3A_27 = arith.constant 1 : i32
    %while3A_28:2 = scf.for %while3A_34 = %while3A_24 to %while3A_20 step %while3A_27 iter_args(%while3A_35 = %while3A_26#0, %while3A_36 = %while3A_26#1) -> (vector<400x16xf32>, vector<400x16xf32>)  : i32 {
      %get3A_37 = arith.index_cast %while3A_34 : i32 to index
      %get3A_38 = arith.constant 0 : index
      %get3A_39 = arith.constant 0 : index
      %get3A_40 = vector.load %arg3[%get3A_37, %get3A_38, %get3A_39] : memref<98x8x512xf32, #tpu.memory_space<vmem>>, vector<1x8x512xf32>
      %get3A_41 = vector.shape_cast %get3A_40 : vector<1x8x512xf32> to vector<8x512xf32>
      %slice3A = vector.extract_strided_slice %get3A_41 {offsets = [0, 0], sizes = [1, 512], strides = [1, 1]} : vector<8x512xf32> to vector<1x512xf32>
      %slice3A_42 = vector.extract_strided_slice %get3A_41 {offsets = [1, 0], sizes = [1, 512], strides = [1, 1]} : vector<8x512xf32> to vector<1x512xf32>
      %slice3A_43 = vector.extract_strided_slice %get3A_41 {offsets = [2, 0], sizes = [1, 512], strides = [1, 1]} : vector<8x512xf32> to vector<1x512xf32>
      %slice3A_44 = vector.extract_strided_slice %get3A_41 {offsets = [3, 0], sizes = [1, 512], strides = [1, 1]} : vector<8x512xf32> to vector<1x512xf32>
      %sub3A = vector.broadcast %get3A_7 : vector<400x1xf32> to vector<400x512xf32>
      %sub3A_45 = vector.broadcast %slice3A : vector<1x512xf32> to vector<400x512xf32>
      %sub3A_46 = arith.subf %sub3A, %sub3A_45 : vector<400x512xf32>
      %sub3A_47 = vector.broadcast %get3A_10 : vector<400x1xf32> to vector<400x512xf32>
      %sub3A_48 = vector.broadcast %slice3A_42 : vector<1x512xf32> to vector<400x512xf32>
      %sub3A_49 = arith.subf %sub3A_47, %sub3A_48 : vector<400x512xf32>
      %sub3A_50 = vector.broadcast %get3A_13 : vector<400x1xf32> to vector<400x512xf32>
      %sub3A_51 = vector.broadcast %slice3A_43 : vector<1x512xf32> to vector<400x512xf32>
      %sub3A_52 = arith.subf %sub3A_50, %sub3A_51 : vector<400x512xf32>
      %mul3A = arith.mulf %sub3A_46, %sub3A_46 : vector<400x512xf32>
      %mul3A_53 = arith.mulf %sub3A_49, %sub3A_49 : vector<400x512xf32>
      %add3A = arith.addf %mul3A, %mul3A_53 : vector<400x512xf32>
      %mul3A_54 = arith.mulf %sub3A_52, %sub3A_52 : vector<400x512xf32>
      %add3A_55 = arith.addf %add3A, %mul3A_54 : vector<400x512xf32>
      %eq3A = vector.broadcast %get3A_16 : vector<400x1xf32> to vector<400x512xf32>
      %eq3A_56 = vector.broadcast %slice3A_44 : vector<1x512xf32> to vector<400x512xf32>
      %eq3A_57 = arith.cmpf oeq, %eq3A, %eq3A_56 : vector<400x512xf32>
      %jit3A_58 = arith.constant 0x7F800000 : f32
      %broadcast_in_dim3A_59 = vector.broadcast %jit3A_58 : f32 to vector<400x512xf32>
      %select_n3A = arith.select %eq3A_57, %add3A_55, %broadcast_in_dim3A_59 : vector<400x512xi1>, vector<400x512xf32>
      %iota3A = tpu.iota {dimensions = array<i32: 1>} : vector<400x512xi32>
      %convert_element_type3A_60 = arith.sitofp %iota3A : vector<400x512xi32> to vector<400x512xf32>
      %convert_element_type3A_61 = arith.sitofp %while3A_34 : i32 to f32
      %mul3A_62 = arith.constant 5.120000e+02 : f32
      %mul3A_63 = arith.mulf %convert_element_type3A_61, %mul3A_62 : f32
      %add3A_64 = vector.broadcast %mul3A_63 : f32 to vector<400x512xf32>
      %add3A_65 = arith.addf %convert_element_type3A_60, %add3A_64 : vector<400x512xf32>
      %concatenate3A = tpu.concatenate %while3A_35, %select_n3A in 1 : vector<400x16xf32>, vector<400x512xf32> -> vector<400x528xf32>
      %concatenate3A_66 = tpu.concatenate %while3A_36, %add3A_65 in 1 : vector<400x16xf32>, vector<400x512xf32> -> vector<400x528xf32>
      %reduce_min3A = arith.constant dense<0x7F800000> : vector<400xf32>
      %reduce_min3A_67 = vector.multi_reduction <minimumf>, %concatenate3A, %reduce_min3A [1] : vector<400x528xf32> to vector<400xf32>
      %broadcast_in_dim3A_68 = vector.shape_cast %reduce_min3A_67 : vector<400xf32> to vector<400x1xf32>
      %eq3A_69 = vector.broadcast %broadcast_in_dim3A_68 : vector<400x1xf32> to vector<400x528xf32>
      %eq3A_70 = arith.cmpf oeq, %concatenate3A, %eq3A_69 : vector<400x528xf32>
      %jit3A_71 = arith.constant 1.000000e+09 : f32
      %broadcast_in_dim3A_72 = vector.broadcast %jit3A_71 : f32 to vector<400x528xf32>
      %select_n3A_73 = arith.select %eq3A_70, %concatenate3A_66, %broadcast_in_dim3A_72 : vector<400x528xi1>, vector<400x528xf32>
      %reduce_min3A_74 = arith.constant dense<0x7F800000> : vector<400xf32>
      %reduce_min3A_75 = vector.multi_reduction <minimumf>, %select_n3A_73, %reduce_min3A_74 [1] : vector<400x528xf32> to vector<400xf32>
      %broadcast_in_dim3A_76 = vector.shape_cast %reduce_min3A_75 : vector<400xf32> to vector<400x1xf32>
      %eq3A_77 = vector.broadcast %broadcast_in_dim3A_76 : vector<400x1xf32> to vector<400x528xf32>
      %eq3A_78 = arith.cmpf oeq, %concatenate3A_66, %eq3A_77 : vector<400x528xf32>
      %jit3A_79 = arith.constant 0x7F800000 : f32
      %broadcast_in_dim3A_80 = vector.broadcast %jit3A_79 : f32 to vector<400x528xf32>
      %select_n3A_81 = arith.select %eq3A_78, %broadcast_in_dim3A_80, %concatenate3A : vector<400x528xi1>, vector<400x528xf32>
      %reduce_min3A_82 = arith.constant dense<0x7F800000> : vector<400xf32>
      %reduce_min3A_83 = vector.multi_reduction <minimumf>, %select_n3A_81, %reduce_min3A_82 [1] : vector<400x528xf32> to vector<400xf32>
      %broadcast_in_dim3A_84 = vector.shape_cast %reduce_min3A_83 : vector<400xf32> to vector<400x1xf32>
      %eq3A_85 = vector.broadcast %broadcast_in_dim3A_84 : vector<400x1xf32> to vector<400x528xf32>
      %eq3A_86 = arith.cmpf oeq, %select_n3A_81, %eq3A_85 : vector<400x528xf32>
      %jit3A_87 = arith.constant 1.000000e+09 : f32
      %broadcast_in_dim3A_88 = vector.broadcast %jit3A_87 : f32 to vector<400x528xf32>
      %select_n3A_89 = arith.select %eq3A_86, %concatenate3A_66, %broadcast_in_dim3A_88 : vector<400x528xi1>, vector<400x528xf32>
      %reduce_min3A_90 = arith.constant dense<0x7F800000> : vector<400xf32>
      %reduce_min3A_91 = vector.multi_reduction <minimumf>, %select_n3A_89, %reduce_min3A_90 [1] : vector<400x528xf32> to vector<400xf32>
      %broadcast_in_dim3A_92 = vector.shape_cast %reduce_min3A_91 : vector<400xf32> to vector<400x1xf32>
      %eq3A_93 = vector.broadcast %broadcast_in_dim3A_92 : vector<400x1xf32> to vector<400x528xf32>
      %eq3A_94 = arith.cmpf oeq, %concatenate3A_66, %eq3A_93 : vector<400x528xf32>
      %jit3A_95 = arith.constant 0x7F800000 : f32
      %broadcast_in_dim3A_96 = vector.broadcast %jit3A_95 : f32 to vector<400x528xf32>
      %select_n3A_97 = arith.select %eq3A_94, %broadcast_in_dim3A_96, %select_n3A_81 : vector<400x528xi1>, vector<400x528xf32>
      %reduce_min3A_98 = arith.constant dense<0x7F800000> : vector<400xf32>
      %reduce_min3A_99 = vector.multi_reduction <minimumf>, %select_n3A_97, %reduce_min3A_98 [1] : vector<400x528xf32> to vector<400xf32>
      %broadcast_in_dim3A_100 = vector.shape_cast %reduce_min3A_99 : vector<400xf32> to vector<400x1xf32>
      %eq3A_101 = vector.broadcast %broadcast_in_dim3A_100 : vector<400x1xf32> to vector<400x528xf32>
      %eq3A_102 = arith.cmpf oeq, %select_n3A_97, %eq3A_101 : vector<400x528xf32>
      %jit3A_103 = arith.constant 1.000000e+09 : f32
      %broadcast_in_dim3A_104 = vector.broadcast %jit3A_103 : f32 to vector<400x528xf32>
      %select_n3A_105 = arith.select %eq3A_102, %concatenate3A_66, %broadcast_in_dim3A_104 : vector<400x528xi1>, vector<400x528xf32>
      %reduce_min3A_106 = arith.constant dense<0x7F800000> : vector<400xf32>
      %reduce_min3A_107 = vector.multi_reduction <minimumf>, %select_n3A_105, %reduce_min3A_106 [1] : vector<400x528xf32> to vector<400xf32>
      %broadcast_in_dim3A_108 = vector.shape_cast %reduce_min3A_107 : vector<400xf32> to vector<400x1xf32>
      %eq3A_109 = vector.broadcast %broadcast_in_dim3A_108 : vector<400x1xf32> to vector<400x528xf32>
      %eq3A_110 = arith.cmpf oeq, %concatenate3A_66, %eq3A_109 : vector<400x528xf32>
      %jit3A_111 = arith.constant 0x7F800000 : f32
      %broadcast_in_dim3A_112 = vector.broadcast %jit3A_111 : f32 to vector<400x528xf32>
      %select_n3A_113 = arith.select %eq3A_110, %broadcast_in_dim3A_112, %select_n3A_97 : vector<400x528xi1>, vector<400x528xf32>
      %reduce_min3A_114 = arith.constant dense<0x7F800000> : vector<400xf32>
      %reduce_min3A_115 = vector.multi_reduction <minimumf>, %select_n3A_113, %reduce_min3A_114 [1] : vector<400x528xf32> to vector<400xf32>
      %broadcast_in_dim3A_116 = vector.shape_cast %reduce_min3A_115 : vector<400xf32> to vector<400x1xf32>
      %eq3A_117 = vector.broadcast %broadcast_in_dim3A_116 : vector<400x1xf32> to vector<400x528xf32>
      %eq3A_118 = arith.cmpf oeq, %select_n3A_113, %eq3A_117 : vector<400x528xf32>
      %jit3A_119 = arith.constant 1.000000e+09 : f32
      %broadcast_in_dim3A_120 = vector.broadcast %jit3A_119 : f32 to vector<400x528xf32>
      %select_n3A_121 = arith.select %eq3A_118, %concatenate3A_66, %broadcast_in_dim3A_120 : vector<400x528xi1>, vector<400x528xf32>
      %reduce_min3A_122 = arith.constant dense<0x7F800000> : vector<400xf32>
      %reduce_min3A_123 = vector.multi_reduction <minimumf>, %select_n3A_121, %reduce_min3A_122 [1] : vector<400x528xf32> to vector<400xf32>
      %broadcast_in_dim3A_124 = vector.shape_cast %reduce_min3A_123 : vector<400xf32> to vector<400x1xf32>
      %eq3A_125 = vector.broadcast %broadcast_in_dim3A_124 : vector<400x1xf32> to vector<400x528xf32>
      %eq3A_126 = arith.cmpf oeq, %concatenate3A_66, %eq3A_125 : vector<400x528xf32>
      %jit3A_127 = arith.constant 0x7F800000 : f32
      %broadcast_in_dim3A_128 = vector.broadcast %jit3A_127 : f32 to vector<400x528xf32>
      %select_n3A_129 = arith.select %eq3A_126, %broadcast_in_dim3A_128, %select_n3A_113 : vector<400x528xi1>, vector<400x528xf32>
      %reduce_min3A_130 = arith.constant dense<0x7F800000> : vector<400xf32>
      %reduce_min3A_131 = vector.multi_reduction <minimumf>, %select_n3A_129, %reduce_min3A_130 [1] : vector<400x528xf32> to vector<400xf32>
      %broadcast_in_dim3A_132 = vector.shape_cast %reduce_min3A_131 : vector<400xf32> to vector<400x1xf32>
      %eq3A_133 = vector.broadcast %broadcast_in_dim3A_132 : vector<400x1xf32> to vector<400x528xf32>
      %eq3A_134 = arith.cmpf oeq, %select_n3A_129, %eq3A_133 : vector<400x528xf32>
      %jit3A_135 = arith.constant 1.000000e+09 : f32
      %broadcast_in_dim3A_136 = vector.broadcast %jit3A_135 : f32 to vector<400x528xf32>
      %select_n3A_137 = arith.select %eq3A_134, %concatenate3A_66, %broadcast_in_dim3A_136 : vector<400x528xi1>, vector<400x528xf32>
      %reduce_min3A_138 = arith.constant dense<0x7F800000> : vector<400xf32>
      %reduce_min3A_139 = vector.multi_reduction <minimumf>, %select_n3A_137, %reduce_min3A_138 [1] : vector<400x528xf32> to vector<400xf32>
      %broadcast_in_dim3A_140 = vector.shape_cast %reduce_min3A_139 : vector<400xf32> to vector<400x1xf32>
      %eq3A_141 = vector.broadcast %broadcast_in_dim3A_140 : vector<400x1xf32> to vector<400x528xf32>
      %eq3A_142 = arith.cmpf oeq, %concatenate3A_66, %eq3A_141 : vector<400x528xf32>
      %jit3A_143 = arith.constant 0x7F800000 : f32
      %broadcast_in_dim3A_144 = vector.broadcast %jit3A_143 : f32 to vector<400x528xf32>
      %select_n3A_145 = arith.select %eq3A_142, %broadcast_in_dim3A_144, %select_n3A_129 : vector<400x528xi1>, vector<400x528xf32>
      %reduce_min3A_146 = arith.constant dense<0x7F800000> : vector<400xf32>
      %reduce_min3A_147 = vector.multi_reduction <minimumf>, %select_n3A_145, %reduce_min3A_146 [1] : vector<400x528xf32> to vector<400xf32>
      %broadcast_in_dim3A_148 = vector.shape_cast %reduce_min3A_147 : vector<400xf32> to vector<400x1xf32>
      %eq3A_149 = vector.broadcast %broadcast_in_dim3A_148 : vector<400x1xf32> to vector<400x528xf32>
      %eq3A_150 = arith.cmpf oeq, %select_n3A_145, %eq3A_149 : vector<400x528xf32>
      %jit3A_151 = arith.constant 1.000000e+09 : f32
      %broadcast_in_dim3A_152 = vector.broadcast %jit3A_151 : f32 to vector<400x528xf32>
      %select_n3A_153 = arith.select %eq3A_150, %concatenate3A_66, %broadcast_in_dim3A_152 : vector<400x528xi1>, vector<400x528xf32>
      %reduce_min3A_154 = arith.constant dense<0x7F800000> : vector<400xf32>
      %reduce_min3A_155 = vector.multi_reduction <minimumf>, %select_n3A_153, %reduce_min3A_154 [1] : vector<400x528xf32> to vector<400xf32>
      %broadcast_in_dim3A_156 = vector.shape_cast %reduce_min3A_155 : vector<400xf32> to vector<400x1xf32>
      %eq3A_157 = vector.broadcast %broadcast_in_dim3A_156 : vector<400x1xf32> to vector<400x528xf32>
      %eq3A_158 = arith.cmpf oeq, %concatenate3A_66, %eq3A_157 : vector<400x528xf32>
      %jit3A_159 = arith.constant 0x7F800000 : f32
      %broadcast_in_dim3A_160 = vector.broadcast %jit3A_159 : f32 to vector<400x528xf32>
      %select_n3A_161 = arith.select %eq3A_158, %broadcast_in_dim3A_160, %select_n3A_145 : vector<400x528xi1>, vector<400x528xf32>
      %reduce_min3A_162 = arith.constant dense<0x7F800000> : vector<400xf32>
      %reduce_min3A_163 = vector.multi_reduction <minimumf>, %select_n3A_161, %reduce_min3A_162 [1] : vector<400x528xf32> to vector<400xf32>
      %broadcast_in_dim3A_164 = vector.shape_cast %reduce_min3A_163 : vector<400xf32> to vector<400x1xf32>
      %eq3A_165 = vector.broadcast %broadcast_in_dim3A_164 : vector<400x1xf32> to vector<400x528xf32>
      %eq3A_166 = arith.cmpf oeq, %select_n3A_161, %eq3A_165 : vector<400x528xf32>
      %jit3A_167 = arith.constant 1.000000e+09 : f32
      %broadcast_in_dim3A_168 = vector.broadcast %jit3A_167 : f32 to vector<400x528xf32>
      %select_n3A_169 = arith.select %eq3A_166, %concatenate3A_66, %broadcast_in_dim3A_168 : vector<400x528xi1>, vector<400x528xf32>
      %reduce_min3A_170 = arith.constant dense<0x7F800000> : vector<400xf32>
      %reduce_min3A_171 = vector.multi_reduction <minimumf>, %select_n3A_169, %reduce_min3A_170 [1] : vector<400x528xf32> to vector<400xf32>
      %broadcast_in_dim3A_172 = vector.shape_cast %reduce_min3A_171 : vector<400xf32> to vector<400x1xf32>
      %eq3A_173 = vector.broadcast %broadcast_in_dim3A_172 : vector<400x1xf32> to vector<400x528xf32>
      %eq3A_174 = arith.cmpf oeq, %concatenate3A_66, %eq3A_173 : vector<400x528xf32>
      %jit3A_175 = arith.constant 0x7F800000 : f32
      %broadcast_in_dim3A_176 = vector.broadcast %jit3A_175 : f32 to vector<400x528xf32>
      %select_n3A_177 = arith.select %eq3A_174, %broadcast_in_dim3A_176, %select_n3A_161 : vector<400x528xi1>, vector<400x528xf32>
      %reduce_min3A_178 = arith.constant dense<0x7F800000> : vector<400xf32>
      %reduce_min3A_179 = vector.multi_reduction <minimumf>, %select_n3A_177, %reduce_min3A_178 [1] : vector<400x528xf32> to vector<400xf32>
      %broadcast_in_dim3A_180 = vector.shape_cast %reduce_min3A_179 : vector<400xf32> to vector<400x1xf32>
      %eq3A_181 = vector.broadcast %broadcast_in_dim3A_180 : vector<400x1xf32> to vector<400x528xf32>
      %eq3A_182 = arith.cmpf oeq, %select_n3A_177, %eq3A_181 : vector<400x528xf32>
      %jit3A_183 = arith.constant 1.000000e+09 : f32
      %broadcast_in_dim3A_184 = vector.broadcast %jit3A_183 : f32 to vector<400x528xf32>
      %select_n3A_185 = arith.select %eq3A_182, %concatenate3A_66, %broadcast_in_dim3A_184 : vector<400x528xi1>, vector<400x528xf32>
      %reduce_min3A_186 = arith.constant dense<0x7F800000> : vector<400xf32>
      %reduce_min3A_187 = vector.multi_reduction <minimumf>, %select_n3A_185, %reduce_min3A_186 [1] : vector<400x528xf32> to vector<400xf32>
      %broadcast_in_dim3A_188 = vector.shape_cast %reduce_min3A_187 : vector<400xf32> to vector<400x1xf32>
      %eq3A_189 = vector.broadcast %broadcast_in_dim3A_188 : vector<400x1xf32> to vector<400x528xf32>
      %eq3A_190 = arith.cmpf oeq, %concatenate3A_66, %eq3A_189 : vector<400x528xf32>
      %jit3A_191 = arith.constant 0x7F800000 : f32
      %broadcast_in_dim3A_192 = vector.broadcast %jit3A_191 : f32 to vector<400x528xf32>
      %select_n3A_193 = arith.select %eq3A_190, %broadcast_in_dim3A_192, %select_n3A_177 : vector<400x528xi1>, vector<400x528xf32>
      %reduce_min3A_194 = arith.constant dense<0x7F800000> : vector<400xf32>
      %reduce_min3A_195 = vector.multi_reduction <minimumf>, %select_n3A_193, %reduce_min3A_194 [1] : vector<400x528xf32> to vector<400xf32>
      %broadcast_in_dim3A_196 = vector.shape_cast %reduce_min3A_195 : vector<400xf32> to vector<400x1xf32>
      %eq3A_197 = vector.broadcast %broadcast_in_dim3A_196 : vector<400x1xf32> to vector<400x528xf32>
      %eq3A_198 = arith.cmpf oeq, %select_n3A_193, %eq3A_197 : vector<400x528xf32>
      %jit3A_199 = arith.constant 1.000000e+09 : f32
      %broadcast_in_dim3A_200 = vector.broadcast %jit3A_199 : f32 to vector<400x528xf32>
      %select_n3A_201 = arith.select %eq3A_198, %concatenate3A_66, %broadcast_in_dim3A_200 : vector<400x528xi1>, vector<400x528xf32>
      %reduce_min3A_202 = arith.constant dense<0x7F800000> : vector<400xf32>
      %reduce_min3A_203 = vector.multi_reduction <minimumf>, %select_n3A_201, %reduce_min3A_202 [1] : vector<400x528xf32> to vector<400xf32>
      %broadcast_in_dim3A_204 = vector.shape_cast %reduce_min3A_203 : vector<400xf32> to vector<400x1xf32>
      %eq3A_205 = vector.broadcast %broadcast_in_dim3A_204 : vector<400x1xf32> to vector<400x528xf32>
      %eq3A_206 = arith.cmpf oeq, %concatenate3A_66, %eq3A_205 : vector<400x528xf32>
      %jit3A_207 = arith.constant 0x7F800000 : f32
      %broadcast_in_dim3A_208 = vector.broadcast %jit3A_207 : f32 to vector<400x528xf32>
      %select_n3A_209 = arith.select %eq3A_206, %broadcast_in_dim3A_208, %select_n3A_193 : vector<400x528xi1>, vector<400x528xf32>
      %reduce_min3A_210 = arith.constant dense<0x7F800000> : vector<400xf32>
      %reduce_min3A_211 = vector.multi_reduction <minimumf>, %select_n3A_209, %reduce_min3A_210 [1] : vector<400x528xf32> to vector<400xf32>
      %broadcast_in_dim3A_212 = vector.shape_cast %reduce_min3A_211 : vector<400xf32> to vector<400x1xf32>
      %eq3A_213 = vector.broadcast %broadcast_in_dim3A_212 : vector<400x1xf32> to vector<400x528xf32>
      %eq3A_214 = arith.cmpf oeq, %select_n3A_209, %eq3A_213 : vector<400x528xf32>
      %jit3A_215 = arith.constant 1.000000e+09 : f32
      %broadcast_in_dim3A_216 = vector.broadcast %jit3A_215 : f32 to vector<400x528xf32>
      %select_n3A_217 = arith.select %eq3A_214, %concatenate3A_66, %broadcast_in_dim3A_216 : vector<400x528xi1>, vector<400x528xf32>
      %reduce_min3A_218 = arith.constant dense<0x7F800000> : vector<400xf32>
      %reduce_min3A_219 = vector.multi_reduction <minimumf>, %select_n3A_217, %reduce_min3A_218 [1] : vector<400x528xf32> to vector<400xf32>
      %broadcast_in_dim3A_220 = vector.shape_cast %reduce_min3A_219 : vector<400xf32> to vector<400x1xf32>
      %eq3A_221 = vector.broadcast %broadcast_in_dim3A_220 : vector<400x1xf32> to vector<400x528xf32>
      %eq3A_222 = arith.cmpf oeq, %concatenate3A_66, %eq3A_221 : vector<400x528xf32>
      %jit3A_223 = arith.constant 0x7F800000 : f32
      %broadcast_in_dim3A_224 = vector.broadcast %jit3A_223 : f32 to vector<400x528xf32>
      %select_n3A_225 = arith.select %eq3A_222, %broadcast_in_dim3A_224, %select_n3A_209 : vector<400x528xi1>, vector<400x528xf32>
      %reduce_min3A_226 = arith.constant dense<0x7F800000> : vector<400xf32>
      %reduce_min3A_227 = vector.multi_reduction <minimumf>, %select_n3A_225, %reduce_min3A_226 [1] : vector<400x528xf32> to vector<400xf32>
      %broadcast_in_dim3A_228 = vector.shape_cast %reduce_min3A_227 : vector<400xf32> to vector<400x1xf32>
      %eq3A_229 = vector.broadcast %broadcast_in_dim3A_228 : vector<400x1xf32> to vector<400x528xf32>
      %eq3A_230 = arith.cmpf oeq, %select_n3A_225, %eq3A_229 : vector<400x528xf32>
      %jit3A_231 = arith.constant 1.000000e+09 : f32
      %broadcast_in_dim3A_232 = vector.broadcast %jit3A_231 : f32 to vector<400x528xf32>
      %select_n3A_233 = arith.select %eq3A_230, %concatenate3A_66, %broadcast_in_dim3A_232 : vector<400x528xi1>, vector<400x528xf32>
      %reduce_min3A_234 = arith.constant dense<0x7F800000> : vector<400xf32>
      %reduce_min3A_235 = vector.multi_reduction <minimumf>, %select_n3A_233, %reduce_min3A_234 [1] : vector<400x528xf32> to vector<400xf32>
      %broadcast_in_dim3A_236 = vector.shape_cast %reduce_min3A_235 : vector<400xf32> to vector<400x1xf32>
      %eq3A_237 = vector.broadcast %broadcast_in_dim3A_236 : vector<400x1xf32> to vector<400x528xf32>
      %eq3A_238 = arith.cmpf oeq, %concatenate3A_66, %eq3A_237 : vector<400x528xf32>
      %jit3A_239 = arith.constant 0x7F800000 : f32
      %broadcast_in_dim3A_240 = vector.broadcast %jit3A_239 : f32 to vector<400x528xf32>
      %select_n3A_241 = arith.select %eq3A_238, %broadcast_in_dim3A_240, %select_n3A_225 : vector<400x528xi1>, vector<400x528xf32>
      %reduce_min3A_242 = arith.constant dense<0x7F800000> : vector<400xf32>
      %reduce_min3A_243 = vector.multi_reduction <minimumf>, %select_n3A_241, %reduce_min3A_242 [1] : vector<400x528xf32> to vector<400xf32>
      %broadcast_in_dim3A_244 = vector.shape_cast %reduce_min3A_243 : vector<400xf32> to vector<400x1xf32>
      %eq3A_245 = vector.broadcast %broadcast_in_dim3A_244 : vector<400x1xf32> to vector<400x528xf32>
      %eq3A_246 = arith.cmpf oeq, %select_n3A_241, %eq3A_245 : vector<400x528xf32>
      %jit3A_247 = arith.constant 1.000000e+09 : f32
      %broadcast_in_dim3A_248 = vector.broadcast %jit3A_247 : f32 to vector<400x528xf32>
      %select_n3A_249 = arith.select %eq3A_246, %concatenate3A_66, %broadcast_in_dim3A_248 : vector<400x528xi1>, vector<400x528xf32>
      %reduce_min3A_250 = arith.constant dense<0x7F800000> : vector<400xf32>
      %reduce_min3A_251 = vector.multi_reduction <minimumf>, %select_n3A_249, %reduce_min3A_250 [1] : vector<400x528xf32> to vector<400xf32>
      %broadcast_in_dim3A_252 = vector.shape_cast %reduce_min3A_251 : vector<400xf32> to vector<400x1xf32>
      %eq3A_253 = vector.broadcast %broadcast_in_dim3A_252 : vector<400x1xf32> to vector<400x528xf32>
      %eq3A_254 = arith.cmpf oeq, %concatenate3A_66, %eq3A_253 : vector<400x528xf32>
      %jit3A_255 = arith.constant 0x7F800000 : f32
      %broadcast_in_dim3A_256 = vector.broadcast %jit3A_255 : f32 to vector<400x528xf32>
      %select_n3A_257 = arith.select %eq3A_254, %broadcast_in_dim3A_256, %select_n3A_241 : vector<400x528xi1>, vector<400x528xf32>
      %reduce_min3A_258 = arith.constant dense<0x7F800000> : vector<400xf32>
      %reduce_min3A_259 = vector.multi_reduction <minimumf>, %select_n3A_257, %reduce_min3A_258 [1] : vector<400x528xf32> to vector<400xf32>
      %broadcast_in_dim3A_260 = vector.shape_cast %reduce_min3A_259 : vector<400xf32> to vector<400x1xf32>
      %eq3A_261 = vector.broadcast %broadcast_in_dim3A_260 : vector<400x1xf32> to vector<400x528xf32>
      %eq3A_262 = arith.cmpf oeq, %select_n3A_257, %eq3A_261 : vector<400x528xf32>
      %jit3A_263 = arith.constant 1.000000e+09 : f32
      %broadcast_in_dim3A_264 = vector.broadcast %jit3A_263 : f32 to vector<400x528xf32>
      %select_n3A_265 = arith.select %eq3A_262, %concatenate3A_66, %broadcast_in_dim3A_264 : vector<400x528xi1>, vector<400x528xf32>
      %reduce_min3A_266 = arith.constant dense<0x7F800000> : vector<400xf32>
      %reduce_min3A_267 = vector.multi_reduction <minimumf>, %select_n3A_265, %reduce_min3A_266 [1] : vector<400x528xf32> to vector<400xf32>
      %broadcast_in_dim3A_268 = vector.shape_cast %reduce_min3A_267 : vector<400xf32> to vector<400x1xf32>
      %eq3A_269 = vector.broadcast %broadcast_in_dim3A_268 : vector<400x1xf32> to vector<400x528xf32>
      %eq3A_270 = arith.cmpf oeq, %concatenate3A_66, %eq3A_269 : vector<400x528xf32>
      %jit3A_271 = arith.constant 0x7F800000 : f32
      %broadcast_in_dim3A_272 = vector.broadcast %jit3A_271 : f32 to vector<400x528xf32>
      %select_n3A_273 = arith.select %eq3A_270, %broadcast_in_dim3A_272, %select_n3A_257 : vector<400x528xi1>, vector<400x528xf32>
      %reduce_min3A_274 = arith.constant dense<0x7F800000> : vector<400xf32>
      %reduce_min3A_275 = vector.multi_reduction <minimumf>, %select_n3A_273, %reduce_min3A_274 [1] : vector<400x528xf32> to vector<400xf32>
      %broadcast_in_dim3A_276 = vector.shape_cast %reduce_min3A_275 : vector<400xf32> to vector<400x1xf32>
      %eq3A_277 = vector.broadcast %broadcast_in_dim3A_276 : vector<400x1xf32> to vector<400x528xf32>
      %eq3A_278 = arith.cmpf oeq, %select_n3A_273, %eq3A_277 : vector<400x528xf32>
      %jit3A_279 = arith.constant 1.000000e+09 : f32
      %broadcast_in_dim3A_280 = vector.broadcast %jit3A_279 : f32 to vector<400x528xf32>
      %select_n3A_281 = arith.select %eq3A_278, %concatenate3A_66, %broadcast_in_dim3A_280 : vector<400x528xi1>, vector<400x528xf32>
      %reduce_min3A_282 = arith.constant dense<0x7F800000> : vector<400xf32>
      %reduce_min3A_283 = vector.multi_reduction <minimumf>, %select_n3A_281, %reduce_min3A_282 [1] : vector<400x528xf32> to vector<400xf32>
      %broadcast_in_dim3A_284 = vector.shape_cast %reduce_min3A_283 : vector<400xf32> to vector<400x1xf32>
      %eq3A_285 = vector.broadcast %broadcast_in_dim3A_284 : vector<400x1xf32> to vector<400x528xf32>
      %eq3A_286 = arith.cmpf oeq, %concatenate3A_66, %eq3A_285 : vector<400x528xf32>
      %jit3A_287 = arith.constant 0x7F800000 : f32
      %broadcast_in_dim3A_288 = vector.broadcast %jit3A_287 : f32 to vector<400x528xf32>
      %select_n3A_289 = arith.select %eq3A_286, %broadcast_in_dim3A_288, %select_n3A_273 : vector<400x528xi1>, vector<400x528xf32>
      %reduce_min3A_290 = arith.constant dense<0x7F800000> : vector<400xf32>
      %reduce_min3A_291 = vector.multi_reduction <minimumf>, %select_n3A_289, %reduce_min3A_290 [1] : vector<400x528xf32> to vector<400xf32>
      %broadcast_in_dim3A_292 = vector.shape_cast %reduce_min3A_291 : vector<400xf32> to vector<400x1xf32>
      %eq3A_293 = vector.broadcast %broadcast_in_dim3A_292 : vector<400x1xf32> to vector<400x528xf32>
      %eq3A_294 = arith.cmpf oeq, %select_n3A_289, %eq3A_293 : vector<400x528xf32>
      %jit3A_295 = arith.constant 1.000000e+09 : f32
      %broadcast_in_dim3A_296 = vector.broadcast %jit3A_295 : f32 to vector<400x528xf32>
      %select_n3A_297 = arith.select %eq3A_294, %concatenate3A_66, %broadcast_in_dim3A_296 : vector<400x528xi1>, vector<400x528xf32>
      %reduce_min3A_298 = arith.constant dense<0x7F800000> : vector<400xf32>
      %reduce_min3A_299 = vector.multi_reduction <minimumf>, %select_n3A_297, %reduce_min3A_298 [1] : vector<400x528xf32> to vector<400xf32>
      %broadcast_in_dim3A_300 = vector.shape_cast %reduce_min3A_299 : vector<400xf32> to vector<400x1xf32>
      %eq3A_301 = vector.broadcast %broadcast_in_dim3A_300 : vector<400x1xf32> to vector<400x528xf32>
      %eq3A_302 = arith.cmpf oeq, %concatenate3A_66, %eq3A_301 : vector<400x528xf32>
      %jit3A_303 = arith.constant 0x7F800000 : f32
      %broadcast_in_dim3A_304 = vector.broadcast %jit3A_303 : f32 to vector<400x528xf32>
      %select_n3A_305 = arith.select %eq3A_302, %broadcast_in_dim3A_304, %select_n3A_289 : vector<400x528xi1>, vector<400x528xf32>
      %reduce_min3A_306 = arith.constant dense<0x7F800000> : vector<400xf32>
      %reduce_min3A_307 = vector.multi_reduction <minimumf>, %select_n3A_305, %reduce_min3A_306 [1] : vector<400x528xf32> to vector<400xf32>
      %broadcast_in_dim3A_308 = vector.shape_cast %reduce_min3A_307 : vector<400xf32> to vector<400x1xf32>
      %eq3A_309 = vector.broadcast %broadcast_in_dim3A_308 : vector<400x1xf32> to vector<400x528xf32>
      %eq3A_310 = arith.cmpf oeq, %select_n3A_305, %eq3A_309 : vector<400x528xf32>
      %jit3A_311 = arith.constant 1.000000e+09 : f32
      %broadcast_in_dim3A_312 = vector.broadcast %jit3A_311 : f32 to vector<400x528xf32>
      %select_n3A_313 = arith.select %eq3A_310, %concatenate3A_66, %broadcast_in_dim3A_312 : vector<400x528xi1>, vector<400x528xf32>
      %reduce_min3A_314 = arith.constant dense<0x7F800000> : vector<400xf32>
      %reduce_min3A_315 = vector.multi_reduction <minimumf>, %select_n3A_313, %reduce_min3A_314 [1] : vector<400x528xf32> to vector<400xf32>
      %broadcast_in_dim3A_316 = vector.shape_cast %reduce_min3A_315 : vector<400xf32> to vector<400x1xf32>
      %eq3A_317 = vector.broadcast %broadcast_in_dim3A_316 : vector<400x1xf32> to vector<400x528xf32>
      %eq3A_318 = arith.cmpf oeq, %concatenate3A_66, %eq3A_317 : vector<400x528xf32>
      %jit3A_319 = arith.constant 0x7F800000 : f32
      %broadcast_in_dim3A_320 = vector.broadcast %jit3A_319 : f32 to vector<400x528xf32>
      %select_n3A_321 = arith.select %eq3A_318, %broadcast_in_dim3A_320, %select_n3A_305 : vector<400x528xi1>, vector<400x528xf32>
      %concatenate3A_322 = tpu.concatenate %broadcast_in_dim3A_68, %broadcast_in_dim3A_84, %broadcast_in_dim3A_100, %broadcast_in_dim3A_116, %broadcast_in_dim3A_132, %broadcast_in_dim3A_148, %broadcast_in_dim3A_164, %broadcast_in_dim3A_180, %broadcast_in_dim3A_196, %broadcast_in_dim3A_212, %broadcast_in_dim3A_228, %broadcast_in_dim3A_244, %broadcast_in_dim3A_260, %broadcast_in_dim3A_276, %broadcast_in_dim3A_292, %broadcast_in_dim3A_308 in 1 : vector<400x1xf32>, vector<400x1xf32>, vector<400x1xf32>, vector<400x1xf32>, vector<400x1xf32>, vector<400x1xf32>, vector<400x1xf32>, vector<400x1xf32>, vector<400x1xf32>, vector<400x1xf32>, vector<400x1xf32>, vector<400x1xf32>, vector<400x1xf32>, vector<400x1xf32>, vector<400x1xf32>, vector<400x1xf32> -> vector<400x16xf32>
      %concatenate3A_323 = tpu.concatenate %broadcast_in_dim3A_76, %broadcast_in_dim3A_92, %broadcast_in_dim3A_108, %broadcast_in_dim3A_124, %broadcast_in_dim3A_140, %broadcast_in_dim3A_156, %broadcast_in_dim3A_172, %broadcast_in_dim3A_188, %broadcast_in_dim3A_204, %broadcast_in_dim3A_220, %broadcast_in_dim3A_236, %broadcast_in_dim3A_252, %broadcast_in_dim3A_268, %broadcast_in_dim3A_284, %broadcast_in_dim3A_300, %broadcast_in_dim3A_316 in 1 : vector<400x1xf32>, vector<400x1xf32>, vector<400x1xf32>, vector<400x1xf32>, vector<400x1xf32>, vector<400x1xf32>, vector<400x1xf32>, vector<400x1xf32>, vector<400x1xf32>, vector<400x1xf32>, vector<400x1xf32>, vector<400x1xf32>, vector<400x1xf32>, vector<400x1xf32>, vector<400x1xf32>, vector<400x1xf32> -> vector<400x16xf32>
      scf.yield %concatenate3A_322, %concatenate3A_323 : vector<400x16xf32>, vector<400x16xf32>
    }
    %convert_element_type3A = arith.fptosi %while3A_28#1 : vector<400x16xf32> to vector<400x16xi32>
    %jit3A = arith.constant 0 : i32
    %jit3A_29 = arith.constant 49999 : i32
    %max3A = vector.broadcast %jit3A : i32 to vector<400x16xi32>
    %max3A_30 = arith.maxsi %max3A, %convert_element_type3A : vector<400x16xi32>
    %min3A = vector.broadcast %jit3A_29 : i32 to vector<400x16xi32>
    %min3A_31 = arith.minsi %min3A, %max3A_30 : vector<400x16xi32>
    %swap3A = arith.constant 0 : index
    %swap3A_32 = arith.constant 0 : index
    %swap3A_33 = vector.load %arg4[%swap3A, %swap3A_32] : memref<400x16xi32, #tpu.memory_space<vmem>>, vector<400x16xi32>
    tpu.vector_store %arg4[%swap3A, %swap3A_32], %min3A_31 {strides = array<i32>} : memref<400x16xi32, #tpu.memory_space<vmem>>, vector<400x16xi32>,
    return
  }
  func.func @transform_0(%arg0: i32, %arg1: memref<125x2xi32, #tpu.memory_space<smem>>) -> (i32, i32) {
    %c0_i32 = arith.constant 0 : i32
    %c0_i32_0 = arith.constant 0 : i32
    return %arg0, %c0_i32 : i32, i32
  }
  func.func @transform_1(%arg0: i32, %arg1: memref<125x2xi32, #tpu.memory_space<smem>>) -> (i32, i32, i32) {
    %c0_i32 = arith.constant 0 : i32
    %c0_i32_0 = arith.constant 0 : i32
    %c0_i32_1 = arith.constant 0 : i32
    %c0_i32_2 = arith.constant 0 : i32
    return %c0_i32, %c0_i32_0, %c0_i32_1 : i32, i32, i32
  }
  func.func @transform_2(%arg0: i32, %arg1: memref<125x2xi32, #tpu.memory_space<smem>>) -> (i32, i32) {
    %c0_i32 = arith.constant 0 : i32
    %c0_i32_0 = arith.constant 0 : i32
    return %arg0, %c0_i32 : i32, i32
  }
}

module attributes {stable_mosaic.version = 14 : i64} {
  func.func @_conv1_body(%arg0: i32, %arg1: memref<16x400x16xf32, #tpu.memory_space<vmem>>, %arg2: memref<400x8xf32, #tpu.memory_space<vmem>>, %arg3: memref<16x32xf32, #tpu.memory_space<vmem>>, %arg4: memref<8x32xf32, #tpu.memory_space<vmem>>, %arg5: memref<8x32xf32, #tpu.memory_space<vmem>>, %arg6: memref<32x32xf32, #tpu.memory_space<vmem>>, %arg7: memref<8x32xf32, #tpu.memory_space<vmem>>, %arg8: memref<400x32xf32, #tpu.memory_space<vmem>>) attributes {dimension_semantics = [#tpu.dimension_semantics<arbitrary>], iteration_bounds = array<i64: 125>, scalar_prefetch = 0 : i64, scratch_operands = 0 : i64, tpu.core_type = #tpu.core_type<tc>, window_params = [{transform_indices = @transform_0, window_bounds = array<i64: 16, 400, 16>}, {transform_indices = @transform_1, window_bounds = array<i64: 400, 8>}, {pipeline_mode = #tpu.pipeline_mode<synchronous>, transform_indices = @transform_2, window_bounds = array<i64: 16, 32>}, {pipeline_mode = #tpu.pipeline_mode<synchronous>, transform_indices = @transform_3, window_bounds = array<i64: 8, 32>}, {pipeline_mode = #tpu.pipeline_mode<synchronous>, transform_indices = @transform_4, window_bounds = array<i64: 8, 32>}, {pipeline_mode = #tpu.pipeline_mode<synchronous>, transform_indices = @transform_5, window_bounds = array<i64: 32, 32>}, {pipeline_mode = #tpu.pipeline_mode<synchronous>, transform_indices = @transform_6, window_bounds = array<i64: 8, 32>}, {transform_indices = @transform_7, window_bounds = array<i64: 400, 32>}]} {
    %get3A = arith.constant 0 : index
    %get3A_0 = arith.constant 0 : index
    %get3A_1 = arith.constant 0 : index
    %get3A_2 = vector.load %arg1[%get3A, %get3A_0, %get3A_1] : memref<16x400x16xf32, #tpu.memory_space<vmem>>, vector<16x400x16xf32>
    %reshape3A = vector.shape_cast %get3A_2 : vector<16x400x16xf32> to vector<6400x16xf32>
    %get3A_3 = arith.constant 0 : index
    %get3A_4 = arith.constant 0 : index
    %get3A_5 = vector.load %arg3[%get3A_3, %get3A_4] : memref<16x32xf32, #tpu.memory_space<vmem>>, vector<16x32xf32>
    %dot_general3A = arith.constant dense<0.000000e+00> : vector<6400x32xf32>
    %dot_general3A_6 = tpu.matmul %reshape3A, %get3A_5, %dot_general3A {dimension_numbers = #tpu.dot_dimension_numbers<[1], [0], [0], [1], [0, 0, 1, 1], [], []>, transpose_lhs_hint = false} : vector<6400x16xf32>, vector<16x32xf32>, vector<6400x32xf32> -> vector<6400x32xf32>
    %get3A_7 = arith.constant 0 : index
    %get3A_8 = arith.constant 0 : index
    %get3A_9 = vector.load %arg2[%get3A_7, %get3A_8] : memref<400x8xf32, #tpu.memory_space<vmem>>, vector<400x8xf32>
    %get3A_10 = arith.constant 0 : index
    %get3A_11 = arith.constant 0 : index
    %get3A_12 = vector.load %arg4[%get3A_10, %get3A_11] : memref<8x32xf32, #tpu.memory_space<vmem>>, vector<8x32xf32>
    %dot_general3A_13 = arith.constant dense<0.000000e+00> : vector<400x32xf32>
    %dot_general3A_14 = tpu.matmul %get3A_9, %get3A_12, %dot_general3A_13 {dimension_numbers = #tpu.dot_dimension_numbers<[1], [0], [0], [1], [0, 0, 1, 1], [], []>, transpose_lhs_hint = false} : vector<400x8xf32>, vector<8x32xf32>, vector<400x32xf32> -> vector<400x32xf32>
    %get3A_15 = arith.constant 0 : index
    %get3A_16 = arith.constant 0 : index
    %get3A_17 = vector.load %arg5[%get3A_15, %get3A_16] : memref<8x32xf32, #tpu.memory_space<vmem>>, vector<1x32xf32>
    %sub3A = vector.broadcast %get3A_17 : vector<1x32xf32> to vector<400x32xf32>
    %sub3A_18 = arith.subf %dot_general3A_14, %sub3A : vector<400x32xf32>
    %reshape3A_19 = vector.shape_cast %dot_general3A_6 : vector<6400x32xf32> to vector<16x400x32xf32>
    %broadcast_in_dim3A = vector.shape_cast %sub3A_18 : vector<400x32xf32> to vector<1x400x32xf32>
    %sub3A_20 = vector.broadcast %broadcast_in_dim3A : vector<1x400x32xf32> to vector<16x400x32xf32>
    %sub3A_21 = arith.subf %reshape3A_19, %sub3A_20 : vector<16x400x32xf32>
    %max3A = arith.constant 0.000000e+00 : f32
    %max3A_22 = vector.broadcast %max3A : f32 to vector<16x400x32xf32>
    %max3A_23 = arith.maximumf %sub3A_21, %max3A_22 : vector<16x400x32xf32>
    %reshape3A_24 = vector.shape_cast %max3A_23 : vector<16x400x32xf32> to vector<6400x32xf32>
    %get3A_25 = arith.constant 0 : index
    %get3A_26 = arith.constant 0 : index
    %get3A_27 = vector.load %arg6[%get3A_25, %get3A_26] : memref<32x32xf32, #tpu.memory_space<vmem>>, vector<32x32xf32>
    %dot_general3A_28 = arith.constant dense<0.000000e+00> : vector<6400x32xf32>
    %dot_general3A_29 = tpu.matmul %reshape3A_24, %get3A_27, %dot_general3A_28 {dimension_numbers = #tpu.dot_dimension_numbers<[1], [0], [0], [1], [0, 0, 1, 1], [], []>, transpose_lhs_hint = false} : vector<6400x32xf32>, vector<32x32xf32>, vector<6400x32xf32> -> vector<6400x32xf32>
    %reshape3A_30 = vector.shape_cast %dot_general3A_29 : vector<6400x32xf32> to vector<16x400x32xf32>
    %slice3A = vector.extract_strided_slice %reshape3A_30 {offsets = [0, 0, 0], sizes = [1, 400, 32], strides = [1, 1, 1]} : vector<16x400x32xf32> to vector<1x400x32xf32>
    %squeeze3A = vector.shape_cast %slice3A : vector<1x400x32xf32> to vector<400x32xf32>
    %slice3A_31 = vector.extract_strided_slice %reshape3A_30 {offsets = [1, 0, 0], sizes = [1, 400, 32], strides = [1, 1, 1]} : vector<16x400x32xf32> to vector<1x400x32xf32>
    %squeeze3A_32 = vector.shape_cast %slice3A_31 : vector<1x400x32xf32> to vector<400x32xf32>
    %max3A_33 = arith.maximumf %squeeze3A, %squeeze3A_32 : vector<400x32xf32>
    %slice3A_34 = vector.extract_strided_slice %reshape3A_30 {offsets = [2, 0, 0], sizes = [1, 400, 32], strides = [1, 1, 1]} : vector<16x400x32xf32> to vector<1x400x32xf32>
    %squeeze3A_35 = vector.shape_cast %slice3A_34 : vector<1x400x32xf32> to vector<400x32xf32>
    %max3A_36 = arith.maximumf %max3A_33, %squeeze3A_35 : vector<400x32xf32>
    %slice3A_37 = vector.extract_strided_slice %reshape3A_30 {offsets = [3, 0, 0], sizes = [1, 400, 32], strides = [1, 1, 1]} : vector<16x400x32xf32> to vector<1x400x32xf32>
    %squeeze3A_38 = vector.shape_cast %slice3A_37 : vector<1x400x32xf32> to vector<400x32xf32>
    %max3A_39 = arith.maximumf %max3A_36, %squeeze3A_38 : vector<400x32xf32>
    %slice3A_40 = vector.extract_strided_slice %reshape3A_30 {offsets = [4, 0, 0], sizes = [1, 400, 32], strides = [1, 1, 1]} : vector<16x400x32xf32> to vector<1x400x32xf32>
    %squeeze3A_41 = vector.shape_cast %slice3A_40 : vector<1x400x32xf32> to vector<400x32xf32>
    %max3A_42 = arith.maximumf %max3A_39, %squeeze3A_41 : vector<400x32xf32>
    %slice3A_43 = vector.extract_strided_slice %reshape3A_30 {offsets = [5, 0, 0], sizes = [1, 400, 32], strides = [1, 1, 1]} : vector<16x400x32xf32> to vector<1x400x32xf32>
    %squeeze3A_44 = vector.shape_cast %slice3A_43 : vector<1x400x32xf32> to vector<400x32xf32>
    %max3A_45 = arith.maximumf %max3A_42, %squeeze3A_44 : vector<400x32xf32>
    %slice3A_46 = vector.extract_strided_slice %reshape3A_30 {offsets = [6, 0, 0], sizes = [1, 400, 32], strides = [1, 1, 1]} : vector<16x400x32xf32> to vector<1x400x32xf32>
    %squeeze3A_47 = vector.shape_cast %slice3A_46 : vector<1x400x32xf32> to vector<400x32xf32>
    %max3A_48 = arith.maximumf %max3A_45, %squeeze3A_47 : vector<400x32xf32>
    %slice3A_49 = vector.extract_strided_slice %reshape3A_30 {offsets = [7, 0, 0], sizes = [1, 400, 32], strides = [1, 1, 1]} : vector<16x400x32xf32> to vector<1x400x32xf32>
    %squeeze3A_50 = vector.shape_cast %slice3A_49 : vector<1x400x32xf32> to vector<400x32xf32>
    %max3A_51 = arith.maximumf %max3A_48, %squeeze3A_50 : vector<400x32xf32>
    %slice3A_52 = vector.extract_strided_slice %reshape3A_30 {offsets = [8, 0, 0], sizes = [1, 400, 32], strides = [1, 1, 1]} : vector<16x400x32xf32> to vector<1x400x32xf32>
    %squeeze3A_53 = vector.shape_cast %slice3A_52 : vector<1x400x32xf32> to vector<400x32xf32>
    %max3A_54 = arith.maximumf %max3A_51, %squeeze3A_53 : vector<400x32xf32>
    %slice3A_55 = vector.extract_strided_slice %reshape3A_30 {offsets = [9, 0, 0], sizes = [1, 400, 32], strides = [1, 1, 1]} : vector<16x400x32xf32> to vector<1x400x32xf32>
    %squeeze3A_56 = vector.shape_cast %slice3A_55 : vector<1x400x32xf32> to vector<400x32xf32>
    %max3A_57 = arith.maximumf %max3A_54, %squeeze3A_56 : vector<400x32xf32>
    %slice3A_58 = vector.extract_strided_slice %reshape3A_30 {offsets = [10, 0, 0], sizes = [1, 400, 32], strides = [1, 1, 1]} : vector<16x400x32xf32> to vector<1x400x32xf32>
    %squeeze3A_59 = vector.shape_cast %slice3A_58 : vector<1x400x32xf32> to vector<400x32xf32>
    %max3A_60 = arith.maximumf %max3A_57, %squeeze3A_59 : vector<400x32xf32>
    %slice3A_61 = vector.extract_strided_slice %reshape3A_30 {offsets = [11, 0, 0], sizes = [1, 400, 32], strides = [1, 1, 1]} : vector<16x400x32xf32> to vector<1x400x32xf32>
    %squeeze3A_62 = vector.shape_cast %slice3A_61 : vector<1x400x32xf32> to vector<400x32xf32>
    %max3A_63 = arith.maximumf %max3A_60, %squeeze3A_62 : vector<400x32xf32>
    %slice3A_64 = vector.extract_strided_slice %reshape3A_30 {offsets = [12, 0, 0], sizes = [1, 400, 32], strides = [1, 1, 1]} : vector<16x400x32xf32> to vector<1x400x32xf32>
    %squeeze3A_65 = vector.shape_cast %slice3A_64 : vector<1x400x32xf32> to vector<400x32xf32>
    %max3A_66 = arith.maximumf %max3A_63, %squeeze3A_65 : vector<400x32xf32>
    %slice3A_67 = vector.extract_strided_slice %reshape3A_30 {offsets = [13, 0, 0], sizes = [1, 400, 32], strides = [1, 1, 1]} : vector<16x400x32xf32> to vector<1x400x32xf32>
    %squeeze3A_68 = vector.shape_cast %slice3A_67 : vector<1x400x32xf32> to vector<400x32xf32>
    %max3A_69 = arith.maximumf %max3A_66, %squeeze3A_68 : vector<400x32xf32>
    %slice3A_70 = vector.extract_strided_slice %reshape3A_30 {offsets = [14, 0, 0], sizes = [1, 400, 32], strides = [1, 1, 1]} : vector<16x400x32xf32> to vector<1x400x32xf32>
    %squeeze3A_71 = vector.shape_cast %slice3A_70 : vector<1x400x32xf32> to vector<400x32xf32>
    %max3A_72 = arith.maximumf %max3A_69, %squeeze3A_71 : vector<400x32xf32>
    %slice3A_73 = vector.extract_strided_slice %reshape3A_30 {offsets = [15, 0, 0], sizes = [1, 400, 32], strides = [1, 1, 1]} : vector<16x400x32xf32> to vector<1x400x32xf32>
    %squeeze3A_74 = vector.shape_cast %slice3A_73 : vector<1x400x32xf32> to vector<400x32xf32>
    %max3A_75 = arith.maximumf %max3A_72, %squeeze3A_74 : vector<400x32xf32>
    %get3A_76 = arith.constant 0 : index
    %get3A_77 = arith.constant 0 : index
    %get3A_78 = vector.load %arg7[%get3A_76, %get3A_77] : memref<8x32xf32, #tpu.memory_space<vmem>>, vector<1x32xf32>
    %add3A = vector.broadcast %get3A_78 : vector<1x32xf32> to vector<400x32xf32>
    %add3A_79 = arith.addf %max3A_75, %add3A : vector<400x32xf32>
    %max3A_80 = arith.constant 0.000000e+00 : f32
    %max3A_81 = vector.broadcast %max3A_80 : f32 to vector<400x32xf32>
    %max3A_82 = arith.maximumf %add3A_79, %max3A_81 : vector<400x32xf32>
    %swap3A = arith.constant 0 : index
    %swap3A_83 = arith.constant 0 : index
    %swap3A_84 = vector.load %arg8[%swap3A, %swap3A_83] : memref<400x32xf32, #tpu.memory_space<vmem>>, vector<400x32xf32>
    tpu.vector_store %arg8[%swap3A, %swap3A_83], %max3A_82 {strides = array<i32>} : memref<400x32xf32, #tpu.memory_space<vmem>>, vector<400x32xf32>,
    return
  }
  func.func @transform_0(%arg0: i32) -> (i32, i32, i32) {
    %c0_i32 = arith.constant 0 : i32
    %c0_i32_0 = arith.constant 0 : i32
    %c0_i32_1 = arith.constant 0 : i32
    return %c0_i32, %arg0, %c0_i32_0 : i32, i32, i32
  }
  func.func @transform_1(%arg0: i32) -> (i32, i32) {
    %c0_i32 = arith.constant 0 : i32
    %c0_i32_0 = arith.constant 0 : i32
    return %arg0, %c0_i32 : i32, i32
  }
  func.func @transform_2(%arg0: i32) -> (i32, i32) {
    %c0_i32 = arith.constant 0 : i32
    %c0_i32_0 = arith.constant 0 : i32
    %c0_i32_1 = arith.constant 0 : i32
    return %c0_i32, %c0_i32_0 : i32, i32
  }
  func.func @transform_3(%arg0: i32) -> (i32, i32) {
    %c0_i32 = arith.constant 0 : i32
    %c0_i32_0 = arith.constant 0 : i32
    %c0_i32_1 = arith.constant 0 : i32
    return %c0_i32, %c0_i32_0 : i32, i32
  }
  func.func @transform_4(%arg0: i32) -> (i32, i32) {
    %c0_i32 = arith.constant 0 : i32
    %c0_i32_0 = arith.constant 0 : i32
    %c0_i32_1 = arith.constant 0 : i32
    return %c0_i32, %c0_i32_0 : i32, i32
  }
  func.func @transform_5(%arg0: i32) -> (i32, i32) {
    %c0_i32 = arith.constant 0 : i32
    %c0_i32_0 = arith.constant 0 : i32
    %c0_i32_1 = arith.constant 0 : i32
    return %c0_i32, %c0_i32_0 : i32, i32
  }
  func.func @transform_6(%arg0: i32) -> (i32, i32) {
    %c0_i32 = arith.constant 0 : i32
    %c0_i32_0 = arith.constant 0 : i32
    %c0_i32_1 = arith.constant 0 : i32
    return %c0_i32, %c0_i32_0 : i32, i32
  }
  func.func @transform_7(%arg0: i32) -> (i32, i32) {
    %c0_i32 = arith.constant 0 : i32
    %c0_i32_0 = arith.constant 0 : i32
    return %arg0, %c0_i32 : i32, i32
  }
}

module attributes {stable_mosaic.version = 14 : i64} {
  func.func @_conv2_body(%arg0: i32, %arg1: memref<16x400x32xf32, #tpu.memory_space<vmem>>, %arg2: memref<16x400x16xf32, #tpu.memory_space<vmem>>, %arg3: memref<400x8xf32, #tpu.memory_space<vmem>>, %arg4: memref<32x32xf32, #tpu.memory_space<vmem>>, %arg5: memref<16x32xf32, #tpu.memory_space<vmem>>, %arg6: memref<8x32xf32, #tpu.memory_space<vmem>>, %arg7: memref<8x32xf32, #tpu.memory_space<vmem>>, %arg8: memref<32x32xf32, #tpu.memory_space<vmem>>, %arg9: memref<8x32xf32, #tpu.memory_space<vmem>>, %arg10: memref<400x32xf32, #tpu.memory_space<vmem>>) attributes {dimension_semantics = [#tpu.dimension_semantics<arbitrary>], iteration_bounds = array<i64: 125>, scalar_prefetch = 0 : i64, scratch_operands = 0 : i64, tpu.core_type = #tpu.core_type<tc>, window_params = [{transform_indices = @transform_0, window_bounds = array<i64: 16, 400, 32>}, {transform_indices = @transform_1, window_bounds = array<i64: 16, 400, 16>}, {transform_indices = @transform_2, window_bounds = array<i64: 400, 8>}, {pipeline_mode = #tpu.pipeline_mode<synchronous>, transform_indices = @transform_3, window_bounds = array<i64: 32, 32>}, {pipeline_mode = #tpu.pipeline_mode<synchronous>, transform_indices = @transform_4, window_bounds = array<i64: 16, 32>}, {pipeline_mode = #tpu.pipeline_mode<synchronous>, transform_indices = @transform_5, window_bounds = array<i64: 8, 32>}, {pipeline_mode = #tpu.pipeline_mode<synchronous>, transform_indices = @transform_6, window_bounds = array<i64: 8, 32>}, {pipeline_mode = #tpu.pipeline_mode<synchronous>, transform_indices = @transform_7, window_bounds = array<i64: 32, 32>}, {pipeline_mode = #tpu.pipeline_mode<synchronous>, transform_indices = @transform_8, window_bounds = array<i64: 8, 32>}, {transform_indices = @transform_9, window_bounds = array<i64: 400, 32>}]} {
    %get3A = arith.constant 0 : index
    %get3A_0 = arith.constant 0 : index
    %get3A_1 = arith.constant 0 : index
    %get3A_2 = vector.load %arg1[%get3A, %get3A_0, %get3A_1] : memref<16x400x32xf32, #tpu.memory_space<vmem>>, vector<16x400x32xf32>
    %reshape3A = vector.shape_cast %get3A_2 : vector<16x400x32xf32> to vector<6400x32xf32>
    %get3A_3 = arith.constant 0 : index
    %get3A_4 = arith.constant 0 : index
    %get3A_5 = arith.constant 0 : index
    %get3A_6 = vector.load %arg2[%get3A_3, %get3A_4, %get3A_5] : memref<16x400x16xf32, #tpu.memory_space<vmem>>, vector<16x400x16xf32>
    %reshape3A_7 = vector.shape_cast %get3A_6 : vector<16x400x16xf32> to vector<6400x16xf32>
    %get3A_8 = arith.constant 0 : index
    %get3A_9 = arith.constant 0 : index
    %get3A_10 = vector.load %arg4[%get3A_8, %get3A_9] : memref<32x32xf32, #tpu.memory_space<vmem>>, vector<32x32xf32>
    %dot_general3A = arith.constant dense<0.000000e+00> : vector<6400x32xf32>
    %dot_general3A_11 = tpu.matmul %reshape3A, %get3A_10, %dot_general3A {dimension_numbers = #tpu.dot_dimension_numbers<[1], [0], [0], [1], [0, 0, 1, 1], [], []>, transpose_lhs_hint = false} : vector<6400x32xf32>, vector<32x32xf32>, vector<6400x32xf32> -> vector<6400x32xf32>
    %get3A_12 = arith.constant 0 : index
    %get3A_13 = arith.constant 0 : index
    %get3A_14 = vector.load %arg5[%get3A_12, %get3A_13] : memref<16x32xf32, #tpu.memory_space<vmem>>, vector<16x32xf32>
    %dot_general3A_15 = arith.constant dense<0.000000e+00> : vector<6400x32xf32>
    %dot_general3A_16 = tpu.matmul %reshape3A_7, %get3A_14, %dot_general3A_15 {dimension_numbers = #tpu.dot_dimension_numbers<[1], [0], [0], [1], [0, 0, 1, 1], [], []>, transpose_lhs_hint = false} : vector<6400x16xf32>, vector<16x32xf32>, vector<6400x32xf32> -> vector<6400x32xf32>
    %add3A = arith.addf %dot_general3A_11, %dot_general3A_16 : vector<6400x32xf32>
    %get3A_17 = arith.constant 0 : index
    %get3A_18 = arith.constant 0 : index
    %get3A_19 = vector.load %arg3[%get3A_17, %get3A_18] : memref<400x8xf32, #tpu.memory_space<vmem>>, vector<400x8xf32>
    %get3A_20 = arith.constant 0 : index
    %get3A_21 = arith.constant 0 : index
    %get3A_22 = vector.load %arg6[%get3A_20, %get3A_21] : memref<8x32xf32, #tpu.memory_space<vmem>>, vector<8x32xf32>
    %dot_general3A_23 = arith.constant dense<0.000000e+00> : vector<400x32xf32>
    %dot_general3A_24 = tpu.matmul %get3A_19, %get3A_22, %dot_general3A_23 {dimension_numbers = #tpu.dot_dimension_numbers<[1], [0], [0], [1], [0, 0, 1, 1], [], []>, transpose_lhs_hint = false} : vector<400x8xf32>, vector<8x32xf32>, vector<400x32xf32> -> vector<400x32xf32>
    %get3A_25 = arith.constant 0 : index
    %get3A_26 = arith.constant 0 : index
    %get3A_27 = vector.load %arg7[%get3A_25, %get3A_26] : memref<8x32xf32, #tpu.memory_space<vmem>>, vector<1x32xf32>
    %sub3A = vector.broadcast %get3A_27 : vector<1x32xf32> to vector<400x32xf32>
    %sub3A_28 = arith.subf %dot_general3A_24, %sub3A : vector<400x32xf32>
    %reshape3A_29 = vector.shape_cast %add3A : vector<6400x32xf32> to vector<16x400x32xf32>
    %broadcast_in_dim3A = vector.shape_cast %sub3A_28 : vector<400x32xf32> to vector<1x400x32xf32>
    %sub3A_30 = vector.broadcast %broadcast_in_dim3A : vector<1x400x32xf32> to vector<16x400x32xf32>
    %sub3A_31 = arith.subf %reshape3A_29, %sub3A_30 : vector<16x400x32xf32>
    %max3A = arith.constant 0.000000e+00 : f32
    %max3A_32 = vector.broadcast %max3A : f32 to vector<16x400x32xf32>
    %max3A_33 = arith.maximumf %sub3A_31, %max3A_32 : vector<16x400x32xf32>
    %reshape3A_34 = vector.shape_cast %max3A_33 : vector<16x400x32xf32> to vector<6400x32xf32>
    %get3A_35 = arith.constant 0 : index
    %get3A_36 = arith.constant 0 : index
    %get3A_37 = vector.load %arg8[%get3A_35, %get3A_36] : memref<32x32xf32, #tpu.memory_space<vmem>>, vector<32x32xf32>
    %dot_general3A_38 = arith.constant dense<0.000000e+00> : vector<6400x32xf32>
    %dot_general3A_39 = tpu.matmul %reshape3A_34, %get3A_37, %dot_general3A_38 {dimension_numbers = #tpu.dot_dimension_numbers<[1], [0], [0], [1], [0, 0, 1, 1], [], []>, transpose_lhs_hint = false} : vector<6400x32xf32>, vector<32x32xf32>, vector<6400x32xf32> -> vector<6400x32xf32>
    %reshape3A_40 = vector.shape_cast %dot_general3A_39 : vector<6400x32xf32> to vector<16x400x32xf32>
    %slice3A = vector.extract_strided_slice %reshape3A_40 {offsets = [0, 0, 0], sizes = [1, 400, 32], strides = [1, 1, 1]} : vector<16x400x32xf32> to vector<1x400x32xf32>
    %squeeze3A = vector.shape_cast %slice3A : vector<1x400x32xf32> to vector<400x32xf32>
    %slice3A_41 = vector.extract_strided_slice %reshape3A_40 {offsets = [1, 0, 0], sizes = [1, 400, 32], strides = [1, 1, 1]} : vector<16x400x32xf32> to vector<1x400x32xf32>
    %squeeze3A_42 = vector.shape_cast %slice3A_41 : vector<1x400x32xf32> to vector<400x32xf32>
    %max3A_43 = arith.maximumf %squeeze3A, %squeeze3A_42 : vector<400x32xf32>
    %slice3A_44 = vector.extract_strided_slice %reshape3A_40 {offsets = [2, 0, 0], sizes = [1, 400, 32], strides = [1, 1, 1]} : vector<16x400x32xf32> to vector<1x400x32xf32>
    %squeeze3A_45 = vector.shape_cast %slice3A_44 : vector<1x400x32xf32> to vector<400x32xf32>
    %max3A_46 = arith.maximumf %max3A_43, %squeeze3A_45 : vector<400x32xf32>
    %slice3A_47 = vector.extract_strided_slice %reshape3A_40 {offsets = [3, 0, 0], sizes = [1, 400, 32], strides = [1, 1, 1]} : vector<16x400x32xf32> to vector<1x400x32xf32>
    %squeeze3A_48 = vector.shape_cast %slice3A_47 : vector<1x400x32xf32> to vector<400x32xf32>
    %max3A_49 = arith.maximumf %max3A_46, %squeeze3A_48 : vector<400x32xf32>
    %slice3A_50 = vector.extract_strided_slice %reshape3A_40 {offsets = [4, 0, 0], sizes = [1, 400, 32], strides = [1, 1, 1]} : vector<16x400x32xf32> to vector<1x400x32xf32>
    %squeeze3A_51 = vector.shape_cast %slice3A_50 : vector<1x400x32xf32> to vector<400x32xf32>
    %max3A_52 = arith.maximumf %max3A_49, %squeeze3A_51 : vector<400x32xf32>
    %slice3A_53 = vector.extract_strided_slice %reshape3A_40 {offsets = [5, 0, 0], sizes = [1, 400, 32], strides = [1, 1, 1]} : vector<16x400x32xf32> to vector<1x400x32xf32>
    %squeeze3A_54 = vector.shape_cast %slice3A_53 : vector<1x400x32xf32> to vector<400x32xf32>
    %max3A_55 = arith.maximumf %max3A_52, %squeeze3A_54 : vector<400x32xf32>
    %slice3A_56 = vector.extract_strided_slice %reshape3A_40 {offsets = [6, 0, 0], sizes = [1, 400, 32], strides = [1, 1, 1]} : vector<16x400x32xf32> to vector<1x400x32xf32>
    %squeeze3A_57 = vector.shape_cast %slice3A_56 : vector<1x400x32xf32> to vector<400x32xf32>
    %max3A_58 = arith.maximumf %max3A_55, %squeeze3A_57 : vector<400x32xf32>
    %slice3A_59 = vector.extract_strided_slice %reshape3A_40 {offsets = [7, 0, 0], sizes = [1, 400, 32], strides = [1, 1, 1]} : vector<16x400x32xf32> to vector<1x400x32xf32>
    %squeeze3A_60 = vector.shape_cast %slice3A_59 : vector<1x400x32xf32> to vector<400x32xf32>
    %max3A_61 = arith.maximumf %max3A_58, %squeeze3A_60 : vector<400x32xf32>
    %slice3A_62 = vector.extract_strided_slice %reshape3A_40 {offsets = [8, 0, 0], sizes = [1, 400, 32], strides = [1, 1, 1]} : vector<16x400x32xf32> to vector<1x400x32xf32>
    %squeeze3A_63 = vector.shape_cast %slice3A_62 : vector<1x400x32xf32> to vector<400x32xf32>
    %max3A_64 = arith.maximumf %max3A_61, %squeeze3A_63 : vector<400x32xf32>
    %slice3A_65 = vector.extract_strided_slice %reshape3A_40 {offsets = [9, 0, 0], sizes = [1, 400, 32], strides = [1, 1, 1]} : vector<16x400x32xf32> to vector<1x400x32xf32>
    %squeeze3A_66 = vector.shape_cast %slice3A_65 : vector<1x400x32xf32> to vector<400x32xf32>
    %max3A_67 = arith.maximumf %max3A_64, %squeeze3A_66 : vector<400x32xf32>
    %slice3A_68 = vector.extract_strided_slice %reshape3A_40 {offsets = [10, 0, 0], sizes = [1, 400, 32], strides = [1, 1, 1]} : vector<16x400x32xf32> to vector<1x400x32xf32>
    %squeeze3A_69 = vector.shape_cast %slice3A_68 : vector<1x400x32xf32> to vector<400x32xf32>
    %max3A_70 = arith.maximumf %max3A_67, %squeeze3A_69 : vector<400x32xf32>
    %slice3A_71 = vector.extract_strided_slice %reshape3A_40 {offsets = [11, 0, 0], sizes = [1, 400, 32], strides = [1, 1, 1]} : vector<16x400x32xf32> to vector<1x400x32xf32>
    %squeeze3A_72 = vector.shape_cast %slice3A_71 : vector<1x400x32xf32> to vector<400x32xf32>
    %max3A_73 = arith.maximumf %max3A_70, %squeeze3A_72 : vector<400x32xf32>
    %slice3A_74 = vector.extract_strided_slice %reshape3A_40 {offsets = [12, 0, 0], sizes = [1, 400, 32], strides = [1, 1, 1]} : vector<16x400x32xf32> to vector<1x400x32xf32>
    %squeeze3A_75 = vector.shape_cast %slice3A_74 : vector<1x400x32xf32> to vector<400x32xf32>
    %max3A_76 = arith.maximumf %max3A_73, %squeeze3A_75 : vector<400x32xf32>
    %slice3A_77 = vector.extract_strided_slice %reshape3A_40 {offsets = [13, 0, 0], sizes = [1, 400, 32], strides = [1, 1, 1]} : vector<16x400x32xf32> to vector<1x400x32xf32>
    %squeeze3A_78 = vector.shape_cast %slice3A_77 : vector<1x400x32xf32> to vector<400x32xf32>
    %max3A_79 = arith.maximumf %max3A_76, %squeeze3A_78 : vector<400x32xf32>
    %slice3A_80 = vector.extract_strided_slice %reshape3A_40 {offsets = [14, 0, 0], sizes = [1, 400, 32], strides = [1, 1, 1]} : vector<16x400x32xf32> to vector<1x400x32xf32>
    %squeeze3A_81 = vector.shape_cast %slice3A_80 : vector<1x400x32xf32> to vector<400x32xf32>
    %max3A_82 = arith.maximumf %max3A_79, %squeeze3A_81 : vector<400x32xf32>
    %slice3A_83 = vector.extract_strided_slice %reshape3A_40 {offsets = [15, 0, 0], sizes = [1, 400, 32], strides = [1, 1, 1]} : vector<16x400x32xf32> to vector<1x400x32xf32>
    %squeeze3A_84 = vector.shape_cast %slice3A_83 : vector<1x400x32xf32> to vector<400x32xf32>
    %max3A_85 = arith.maximumf %max3A_82, %squeeze3A_84 : vector<400x32xf32>
    %get3A_86 = arith.constant 0 : index
    %get3A_87 = arith.constant 0 : index
    %get3A_88 = vector.load %arg9[%get3A_86, %get3A_87] : memref<8x32xf32, #tpu.memory_space<vmem>>, vector<1x32xf32>
    %add3A_89 = vector.broadcast %get3A_88 : vector<1x32xf32> to vector<400x32xf32>
    %add3A_90 = arith.addf %max3A_85, %add3A_89 : vector<400x32xf32>
    %swap3A = arith.constant 0 : index
    %swap3A_91 = arith.constant 0 : index
    %swap3A_92 = vector.load %arg10[%swap3A, %swap3A_91] : memref<400x32xf32, #tpu.memory_space<vmem>>, vector<400x32xf32>
    tpu.vector_store %arg10[%swap3A, %swap3A_91], %add3A_90 {strides = array<i32>} : memref<400x32xf32, #tpu.memory_space<vmem>>, vector<400x32xf32>,
    return
  }
  func.func @transform_0(%arg0: i32) -> (i32, i32, i32) {
    %c0_i32 = arith.constant 0 : i32
    %c0_i32_0 = arith.constant 0 : i32
    %c0_i32_1 = arith.constant 0 : i32
    return %c0_i32, %arg0, %c0_i32_0 : i32, i32, i32
  }
  func.func @transform_1(%arg0: i32) -> (i32, i32, i32) {
    %c0_i32 = arith.constant 0 : i32
    %c0_i32_0 = arith.constant 0 : i32
    %c0_i32_1 = arith.constant 0 : i32
    return %c0_i32, %arg0, %c0_i32_0 : i32, i32, i32
  }
  func.func @transform_2(%arg0: i32) -> (i32, i32) {
    %c0_i32 = arith.constant 0 : i32
    %c0_i32_0 = arith.constant 0 : i32
    return %arg0, %c0_i32 : i32, i32
  }
  func.func @transform_3(%arg0: i32) -> (i32, i32) {
    %c0_i32 = arith.constant 0 : i32
    %c0_i32_0 = arith.constant 0 : i32
    %c0_i32_1 = arith.constant 0 : i32
    return %c0_i32, %c0_i32_0 : i32, i32
  }
  func.func @transform_4(%arg0: i32) -> (i32, i32) {
    %c0_i32 = arith.constant 0 : i32
    %c0_i32_0 = arith.constant 0 : i32
    %c0_i32_1 = arith.constant 0 : i32
    return %c0_i32, %c0_i32_0 : i32, i32
  }
  func.func @transform_5(%arg0: i32) -> (i32, i32) {
    %c0_i32 = arith.constant 0 : i32
    %c0_i32_0 = arith.constant 0 : i32
    %c0_i32_1 = arith.constant 0 : i32
    return %c0_i32, %c0_i32_0 : i32, i32
  }
  func.func @transform_6(%arg0: i32) -> (i32, i32) {
    %c0_i32 = arith.constant 0 : i32
    %c0_i32_0 = arith.constant 0 : i32
    %c0_i32_1 = arith.constant 0 : i32
    return %c0_i32, %c0_i32_0 : i32, i32
  }
  func.func @transform_7(%arg0: i32) -> (i32, i32) {
    %c0_i32 = arith.constant 0 : i32
    %c0_i32_0 = arith.constant 0 : i32
    %c0_i32_1 = arith.constant 0 : i32
    return %c0_i32, %c0_i32_0 : i32, i32
  }
  func.func @transform_8(%arg0: i32) -> (i32, i32) {
    %c0_i32 = arith.constant 0 : i32
    %c0_i32_0 = arith.constant 0 : i32
    %c0_i32_1 = arith.constant 0 : i32
    return %c0_i32, %c0_i32_0 : i32, i32
  }
  func.func @transform_9(%arg0: i32) -> (i32, i32) {
    %c0_i32 = arith.constant 0 : i32
    %c0_i32_0 = arith.constant 0 : i32
    return %arg0, %c0_i32 : i32, i32
  }
}

</mosaic_0001>

<sc_bundles>
// kernel: kernel.10.cloned.1.call-start
scs
__scs_entry_jumppad:
0x0: {  	(pc) =	sbr.rel $0x88, $3  }
0x1: {  	(tag) =	ssettag $0x0;
	lr =	simm.s32 $0x1  }
0x2: {  	[smem:$0x3F97] =	sst lr;
	_ =	strace $0xD0000000  }
0x3: {  	_ = 	snop  }
0x4: {  	_ = 	snop  }
0x5: {  	_ = 	snop  }
0x6: {  	_ = 	snop  }
0x7: {  	_ = 	snop  }
__scs_overlays_trampoline_lowered:
0x8: {  	[smem:$0x3FA6] =	sst s0  }
0x9: {  	[smem:$0x3FA7] =	sst s1  }
0xa: {  	[smem:$0x3FA8] =	sst s2  }
0xb: {  	[smem:$0x3FA9] =	sst s3  }
0xc: {  	[smem:$0x3FAA] =	sst s4  }
0xd: {  	[smem:$0x3FAB] =	sst s5  }
0xe: {  	[smem:$0x3FAC] =	sst s6  }
0xf: {  	[smem:$0x3FAD] =	sst s7  }
0x10: {  	[smem:$0x3FAE] =	sst s8  }
0x11: {  	[smem:$0x3FAF] =	sst s9;
	s0 =	simm.s32 @!p0 $0x0  }
0x12: {  	s1 =	sld [smem:$0x3F95];
	s0 =	simm.s32 @p0 $0x1  }
0x13: {  	[smem:$0x3FB0] =	sst s0;
	s0 =	simm.s32 @!p1 $0x0  }
0x14: {  	s2 =	sld [smem:$0x3F94];
	s0 =	simm.s32 @p1 $0x1  }
0x15: {  	[smem:$0x3FB1] =	sst s0;
	s0 =	simm.s32 @!p2 $0x0  }
0x16: {  	s3 =	sld [smem:$0x3FDB];
	s0 =	simm.s32 @p2 $0x1  }
0x17: {  	s4 =	simm.s32 $0x1BF5;
	[smem:$0x3FB3] =	sst s0  }
0x18: {  	s0 =	sld [smem:$0x3F96];
	_ =	swait.ge [sflag:s4], $0x0  }
0x19: {  	s7 =	sld [smem:$0x3F97]  }
0x1a: {  	s8 =	sadd.s32 $0xFFFFE003, lr  }
0x1b: {  	s9 =	sadd.s32 $0xFFFFFEF7, lr;
	s5 =	simm.s32 $0xFFFFFFFF;
	p2 =	slt.u32 s8, $0xFFFFF086  }
0x1c: {  	p1 =	slt.u32 s9, $0xF7A;
	s5 =	simm.s32 @!p2 $0x0  }
0x1d: {  	s5 =	simm.s32 @p1 $0x1;
	p0 =	seq.s32 s7, s2  }
0x1e: {  	s7 =	smul.u32 @!p0 $0xF7A, s2;
	p2 =	seq.s32 @!p0 s5, $0x0  }
0x1f: {  	s9 =	smul.u32 $0xF7A, s1;
	s8 =	simm.s32 @!p0 $0x1BF5;
	p2 =	por !p2, p0  }
0x20: {  	[sflag:s8] =	ssyncset.s32 @!p0 $0xFFFFF086;
	s6 =	sadd.s32 @!p0 s3, s7;
	s7 =	simm.s32 @!p0 $0x108  }
0x21: {  	s3 =	sadd.s32 s3, s9;
	s6 =	sadd.s32 @!p0 $0x88, s6;
	s7 =	simm.s32 @p2 $0x1082  }
0x22: {  	[simem:s7], [sflag:s8] =	dma.local @!p0 [hbm:s6], $0xF7A  }
0x23: {  	s9 =	sor.u32 $0xD0000000, s2;
	s6 =	simm.s32 $0x108;
	_ =	swait.ge @!p0 [sflag:s8], $0x0  }
0x24: {  	s3 =	sadd.s32 $0x88, s3;
	s6 =	simm.s32 @!p1 $0x1082;
	[sflag:s4] =	ssyncset.s32 $0xFFFFF086  }
0x25: {  	[simem:s6], [sflag:s4] =	dma.local [hbm:s3], $0xF7A  }
0x26: {  	[smem:$0x3F97] =	sst s1;
	(tag) =	ssettag s2;
	_ =	strace s9  }
0x27: {  	s1 =	sld [smem:$0x3FA7]  }
0x28: {  	s2 =	sld [smem:$0x3FA8]  }
0x29: {  	s4 =	sld [smem:$0x3FAA]  }
0x2a: {  	p0 =	seq.s32 s5, $0x0;
	s5 =	sld [smem:$0x3FAB]  }
0x2b: {  	s6 =	sld [smem:$0x3FAC]  }
0x2c: {  	s7 =	sld [smem:$0x3FAD]  }
0x2d: {  	s3 =	simm.s32 $0x108;
	s8 =	sld [smem:$0x3FAE]  }
0x2e: {  	s3 =	simm.s32 @!p0 $0x1082;
	s9 =	sld [smem:$0x3FAF]  }
0x2f: {  	lr =	sadd.s32 s0, s3;
	s0 =	sld [smem:$0x3FA6]  }
0x30: {  	s3 =	sld [smem:$0x3FA9]  }
0x31: {  	[smem:$0x3FB2] =	sst s10  }
0x32: {  	s10 =	sld [smem:$0x3FB0];
	_ =	sdelay $0x3  }
0x33: {  	p0 =	seq.s32 s10, $0x1;
	s10 =	sld [smem:$0x3FB2];
	_ =	sdelay $0x3  }
0x34: {  	[smem:$0x3FB2] =	sst s10  }
0x35: {  	s10 =	sld [smem:$0x3FB1];
	_ =	sdelay $0x3  }
0x36: {  	p1 =	seq.s32 s10, $0x1;
	s10 =	sld [smem:$0x3FB2];
	_ =	sdelay $0x3  }
0x37: {  	[smem:$0x3FB2] =	sst s10  }
0x38: {  	s10 =	sld [smem:$0x3FB3]  }
0x39: {  	_ = 	snop;
	(pc) =	sbr.ind lr, $3  }
0x3a: {  	_ = 	snop  }
0x3b: {  	_ = 	snop  }
0x3c: {  	p2 =	seq.s32 s10, $0x1;
	s10 =	sld [smem:$0x3FB2]  }
0x3d: {  	_ =	shalt  }
0x3e: {  	_ =	shalt  }
0x3f: {  	_ =	shalt  }
0x40: {  	_ =	shalt  }
0x41: {  	_ =	shalt  }
0x42: {  	_ =	shalt  }
0x43: {  	_ =	shalt  }
0x44: {  	_ =	shalt  }
0x45: {  	_ =	shalt  }
0x46: {  	_ =	shalt  }
0x47: {  	_ =	shalt  }
0x48: {  	_ =	shalt  }
0x49: {  	_ =	shalt  }
0x4a: {  	_ =	shalt  }
0x4b: {  	_ =	shalt  }
0x4c: {  	_ =	shalt  }
0x4d: {  	_ =	shalt  }
0x4e: {  	_ =	shalt  }
0x4f: {  	_ =	shalt  }
0x50: {  	_ =	shalt  }
0x51: {  	_ =	shalt  }
0x52: {  	_ =	shalt  }
0x53: {  	_ =	shalt  }
0x54: {  	_ =	shalt  }
0x55: {  	_ =	shalt  }
0x56: {  	_ =	shalt  }
0x57: {  	_ =	shalt  }
0x58: {  	_ =	shalt  }
0x59: {  	_ =	shalt  }
0x5a: {  	_ =	shalt  }
0x5b: {  	_ =	shalt  }
0x5c: {  	_ =	shalt  }
0x5d: {  	_ =	shalt  }
0x5e: {  	_ =	shalt  }
0x5f: {  	_ =	shalt  }
0x60: {  	_ =	shalt  }
0x61: {  	_ =	shalt  }
0x62: {  	_ =	shalt  }
0x63: {  	_ =	shalt  }
0x64: {  	_ =	shalt  }
0x65: {  	_ =	shalt  }
0x66: {  	_ =	shalt  }
0x67: {  	_ =	shalt  }
0x68: {  	_ =	shalt  }
0x69: {  	_ =	shalt  }
0x6a: {  	_ =	shalt  }
0x6b: {  	_ =	shalt  }
0x6c: {  	_ =	shalt  }
0x6d: {  	_ =	shalt  }
0x6e: {  	_ =	shalt  }
0x6f: {  	_ =	shalt  }
0x70: {  	_ =	shalt  }
0x71: {  	_ =	shalt  }
0x72: {  	_ =	shalt  }
0x73: {  	_ =	shalt  }
0x74: {  	_ =	shalt  }
0x75: {  	_ =	shalt  }
0x76: {  	_ =	shalt  }
0x77: {  	_ =	shalt  }
0x78: {  	_ =	shalt  }
0x79: {  	_ =	shalt  }
0x7a: {  	_ =	shalt  }
0x7b: {  	_ =	shalt  }
0x7c: {  	_ =	shalt  }
0x7d: {  	_ =	shalt  }
0x7e: {  	_ =	shalt  }
0x7f: {  	_ =	shalt  }
0x80: {  	_ =	shalt  }
0x81: {  	_ =	shalt  }
0x82: {  	_ =	shalt  }
0x83: {  	_ =	shalt  }
0x84: {  	_ =	shalt  }
0x85: {  	_ =	shalt  }
0x86: {  	_ =	shalt  }
0x87: {  	_ =	shalt  }
.Lfunc_end0:
.L_simem_size_0:
called_computation.1_lowered:
.L_overlay_start_0:
0x88: {  	s2 =	sld [smem:$0x3FD9]  }
0x89: {  	s3 =	sld [smem:$0x3FFE];
	_ =	sdelay $0x1  }
0x8a: {  	s1 =	srdreg.scid  }
0x8b: {  	s0 =	sand.u32 $0x1, s1  }
0x8c: {  	s17 =	sshll.u32 s0, $0xA;
	s2 =	sadd.s32 s3, s2  }
0x8d: {  	s2 =	sadd.s32 s2, s17  }
0x8e: {  	[smem:$0x3FBE] =	sst s2  }
0x8f: {  	_ = 	snop  }
0x90: {  	s2 =	sld [smem:$0x3FD0];
	(tm) =	ssettm $0x1  }
0x91: {  	s18 =	sld [smem:$0x3FFB];
	_ =	sdelay $0x3  }
0x92: {  	_ =	strace s18  }
0x93: {  	s3 =	sld [smem:$0x3FFC];
	_ =	sdelay $0x3  }
0x94: {  	_ =	strace s3  }
0x95: {  	s3 =	sld [smem:$0x3FFD];
	_ =	sdelay $0x3  }
0x96: {  	_ =	strace s3  }
0x97: {  	_ =	strace $0x8FFFFFFF  }
0x98: {  	s19 =	sld [smem:$0x3FDB];
	_ =	sdelay $0x1  }
0x99: {  	s4 =	simm.s32 $_scs_section_size  }
0x9a: {  	s5 =	simm.s32 $_size__tile_overlayer_lowered;
	s6 =	simm.s32 $_tile_overlayer_lowered  }
0x9b: {  	s22 =	simm.s32 $0x1BFF;
	s21 =	sshll.u32 s6, $0x1;
	s3 =	sadd.s32 s4, s19  }
0x9c: {  	s7 =	simm.s32 $0x0;
	s20 =	sshll.u32 s5, $0x1;
	s5 =	sadd.s32 s21, s3  }
0x9d: {  	[timem:s7], [sflag:s22] =	dma.local [hbm:s5], s20  }
0x9e: {  	_ =	swait.ge [sflag:s22], s20  }
0x9f: {  	s4 =	ssub.s32 $0x0, s20;
	[sflag:s22] =	ssyncset.done $0x0  }
0xa0: {  	[sflag:s22] =	ssyncadd.s32 s4;
	_ =	sdelay $0x1  }
0xa1: {  	s23 =	simm.s32 $0x1B8B  }
0xa2: {  	_ =	swait.ge [sflag:s23], $0x1  }
0xa3: {  	[sflag:s23] =	ssyncset.done $0x0  }
0xa4: {  	s25 =	simm.s32 $0x1B8E;
	s24 =	sld [smem:$0x3FFE];
	[sflag:s23] =	ssyncadd.s32 $0xFFFFFFFF  }
0xa5: {  	s26 =	simm.s32 $execute0_lowered;
	[smem:$0x3FD2] =	sst s25  }
0xa6: {  	s5 =	sshll.u32 s26, $0x1;
	_ =	strace $0x80000049;
	[dreg:$0x1] =	wrdreg $0xFFFFFFFF  }
0xa7: {  	s28 =	simm.s32 $_size_execute0_lowered;
	s3 =	sadd.s32 s3, s5;
	[dreg:$0x0] =	wrdreg $0x0  }
0xa8: {  	s5 =	sshll.u32 s28, $0x1;
	[dreg:$0x2] =	wrdreg s3  }
0xa9: {  	[dreg:$0x3] =	wrdreg s5  }
0xaa: {  	[dreg:$0x4] =	wrdreg $0xC0  }
0xab: {  	_ =	task [dreg:s7], $0x5FFFF  }
0xac: {  	[dreg:$0x1] =	wrdreg $0xFFFFFFFF  }
0xad: {  	[dreg:$0x0] =	wrdreg $0x60  }
0xae: {  	[dreg:$0x2] =	wrdreg s24  }
0xaf: {  	[dreg:$0x3] =	wrdreg s2  }
0xb0: {  	[dreg:$0x4] =	wrdreg $0x9  }
0xb1: {  	_ =	task.clear_ibuf [dreg:s7], $0x5FFFF;
	_ =	strace $0x90000049  }
0xb2: {  	s29 =	simm.s32 $0x9;
	_ =	strace $0x8000004B  }
0xb3: {  	_ =	swait.ge [sflag:s29], $0x1  }
0xb4: {  	[sflag:s29] =	ssyncadd.s32 $0xFFFFFFFF  }
0xb5: {  	_ =	strace $0x9000004B  }
0xb6: {  	_ =	sfence  }
0xb7: {  	s30 =	sld [smem:$0x0];
	_ =	sdelay $0x2  }
0xb8: {  	s31 =	sshll.u32 s1, $0xD;
	s1 =	sshrl.u32 s1, $0x2  }
0xb9: {  	s3 =	sand.u32 $0x4000, s31;
	s1 =	sadd.s32 s1, s30  }
0xba: {  	s0 =	sor.u32 s3, s0;
	s1 =	sshll.u32 s1, $0x11  }
0xbb: {  	s0 =	sor.u32 s1, s0  }
0xbc: {  	s0 =	sadd.s32 $0x8F2B, s0  }
0xbd: {  	[sflag:s0] =	ssyncadd.remote.s32 $0x1  }
0xbe: {  	_ =	sfence.sel $0xFFFF  }
0xbf: {  	[dreg:$0x0] =	wrdreg $0xFFFFFFFF;
	(pc) =	sbr.abs _section_cstart, $3  }
0xc0: {  	[dreg:$0x1] =	wrdreg $0xFFFFFFFF  }
0xc1: {  	_ =	task.clear_ibuf [dreg:s7], $0x2FFFF;
	_ =	strace $0x9FFFFFFF  }
0xc2: {  	(tm) =	ssettm $0x7FFFFFFF  }
0xc3: {  	_ =	shalt  }
tec
execute0_lowered:
.L_overlay_start_1:
0x0: {  	(tag) =	ssettag $0x1  }
0x1: {  	s1 =	srdreg.scid;
	s5 =	rddreg [dreg:$0x0]  }
0x2: {  	s0 =	stileid.u32;
	s2 =	rddreg [dreg:$0x1];
	s3 =	simm.s32 $0x0  }
0x3: {  	s15 =	simm.s32 $0x84D0;
	s16 =	simm.s32 $0x1;
	s17 =	simm.s32 $0x2  }
0x4: {  	s18 =	simm.s32 $0x0;
	s8 =	sand.u32 $0x1, s1;
	s10 =	smul.u32 $0xC350, s0  }
0x5: {  	s24 =	sshll.u32 s0, $0x1;
	s1 =	rddreg [dreg:$0x2];
	s30 =	smul.u32 $0x30D40, s0  }
0x6: {  	[smem:$0x7FF] =	sst s3;
	s13 =	sadd.s32 $0xE9A400, s5;
	s12 =	smul.u32 $0x61A8, s8  }
0x7: {  	s4 =	sor.u32 s8, s24;
	s9 =	ssub.s32 $0x2, s8;
	s14 =	smul.u32 $0x186A0, s8  }
0x8: {  	_ =	strace $0x8000004A;
	s6 =	smul.u32 $0x61A8, s4;
	s11 =	sshrl.u32 s9, $0x1  }
0x9: {  	s7 =	smul.u32 $0xC3500, s4;
	s4 =	sadd.s32 $0xC6200, s5;
	s9 =	ssub.s32 s9, s11  }
0xa: {  	s10 =	sadd.s32 s12, s10;
	s12 =	sadd.s32 s30, s13;
	s25 =	sshrl.u32 s6, $0x3  }
0xb: {  	s26 =	sshrl.u32 s7, $0x3;
	s28 =	sadd.s32 $0x3E8, s10;
	s7 =	smax.u32 s9, $0x1  }
0xc: {  	s8 =	sadd.s32 $0x7D0, s10;
	s11 =	sadd.s32 s14, s12;
	s12 =	simm.s32 $0x3  }
0xd: {  	s14 =	simm.s32 $0x7D0;
	s6 =	sadd.s32 s13, s26;
	s29 =	sshrl.u32 s28, $0x3  }
0xe: {  	s5 =	sadd.s32 s4, s25;
	s6 =	sadd.s32 $0x17700, s6;
	s31 =	sshll.u32 s29, $0x5  }
0xf: {  	s10 =	sadd.s32 s29, s4;
	s9 =	sadd.s32 s31, s13;
	s13 =	simm.s32 $0x3E8  }
.LBB2_1:
0x10: {  	[tilespmem:s3], [sflag:$0x3] =	stream.linear.gather [hbm4b:s5+s3], $0x3E8, $0x38;
	[tilespmem:$0x101D0] =	vst v63  }
0x11: {  	_ =	swait.ge [sflag:s12], $0x3E8  }
0x12: {  	[sflag:s12] =	ssyncset.done $0x0  }
0x13: {  	[sflag:s12] =	ssyncadd.s32 $0xFFFFFC18  }
0x14: {  	[tilespmem:s14], [sflag:$0x1] =	stream.indirect.gather [hbm4b:s2+s13], $0x20, s3, s13, $0xb8;
	[tilespmem:$0x101D0] =	vst v63  }
0x15: {  	_ = 	snop  }
0x16: {  	[tilespmem:s13], [sflag:$0x3] =	stream.linear.gather [hbm4b:s10+s3], $0x3E8, $0x38;
	[tilespmem:$0x101D0] =	vst v63  }
0x17: {  	_ =	swait.ge [sflag:s12], $0x3E8  }
0x18: {  	[sflag:s12] =	ssyncset.done $0x0  }
0x19: {  	[sflag:s12] =	ssyncadd.s32 $0xFFFFFC18  }
0x1a: {  	[tilespmem:s15], [sflag:$0x2] =	stream.indirect.gather [hbm4b:s2+s13], $0x20, s13, s13, $0xb8;
	[tilespmem:$0x101D0] =	vst v63  }
0x1b: {  	_ =	swait.ge [sflag:s16], $0x7D00  }
0x1c: {  	[sflag:s16] =	ssyncset.done $0x0  }
0x1d: {  	s19 =	sadd.s32 $0x0, s11;
	[sflag:s16] =	ssyncadd.s32 $0xFFFF8300  }
0x1e: {  	[hbm4b:s19+s3] =	stream.linear.scatter [tilespmem:s14], [sflag:$0x3], $0x7D00, $0x38;
	[tilespmem:$0x101D0] =	vst v63  }
0x1f: {  	_ =	swait.ge [sflag:s12], $0x7D00  }
0x20: {  	s30 =	sshrl.u32 s8, $0x3;
	[sflag:s12] =	ssyncset.done $0x0  }
0x21: {  	s19 =	sadd.s32 s4, s30;
	[sflag:s12] =	ssyncadd.s32 $0xFFFF8300  }
0x22: {  	[tilespmem:s3], [sflag:$0x3] =	stream.linear.gather [hbm4b:s19+s3], $0x3E8, $0x38;
	[tilespmem:$0x101D0] =	vst v63  }
0x23: {  	_ =	swait.ge [sflag:s12], $0x3E8  }
0x24: {  	[sflag:s12] =	ssyncset.done $0x0  }
0x25: {  	[sflag:s12] =	ssyncadd.s32 $0xFFFFFC18  }
0x26: {  	[tilespmem:s14], [sflag:$0x1] =	stream.indirect.gather [hbm4b:s2+s13], $0x20, s3, s13, $0xb8;
	[tilespmem:$0x101D0] =	vst v63  }
0x27: {  	_ =	swait.ge [sflag:s17], $0x7D00  }
0x28: {  	[sflag:s17] =	ssyncset.done $0x0  }
0x29: {  	s31 =	sadd.s32 $0x0, s9;
	[sflag:s17] =	ssyncadd.s32 $0xFFFF8300  }
0x2a: {  	[hbm4b:s31+s3] =	stream.linear.scatter [tilespmem:s15], [sflag:$0x3], $0x7D00, $0x38;
	[tilespmem:$0x101D0] =	vst v63  }
0x2b: {  	s20 =	smov.u32 s8;
	_ =	swait.ge [sflag:s12], $0x7D00  }
0x2c: {  	s21 =	smov.u32 s10;
	s19 =	simm.s32 $0x1F40;
	[sflag:s12] =	ssyncset.done $0x0  }
.LBB2_2:
0x2d: {  	[sflag:s12] =	ssyncadd.s32 $0xFFFF8300  }
0x2e: {  	s20 =	sadd.s32 $0x7D0, s20;
	s21 =	sadd.s32 $0xFA, s21;
	s22 =	smov.u32 s19  }
0x2f: {  	[tilespmem:s13], [sflag:$0x3] =	stream.linear.gather [hbm4b:s21+s3], $0x3E8, $0x38;
	[tilespmem:$0x101D0] =	vst v63  }
0x30: {  	p0 =	sne.s32 s19, $0x157C0;
	s19 =	sadd.s32 $0x1F40, s19;
	_ =	swait.ge [sflag:s12], $0x3E8  }
0x31: {  	[sflag:s12] =	ssyncset.done $0x0  }
0x32: {  	[sflag:s12] =	ssyncadd.s32 $0xFFFFFC18  }
0x33: {  	[tilespmem:s15], [sflag:$0x2] =	stream.indirect.gather [hbm4b:s2+s13], $0x20, s13, s13, $0xb8;
	[tilespmem:$0x101D0] =	vst v63  }
0x34: {  	_ =	swait.ge [sflag:s16], $0x7D00  }
0x35: {  	[sflag:s16] =	ssyncset.done $0x0  }
0x36: {  	s23 =	sadd.s32 s22, s11;
	[sflag:s16] =	ssyncadd.s32 $0xFFFF8300  }
0x37: {  	[hbm4b:s23+s3] =	stream.linear.scatter [tilespmem:s14], [sflag:$0x3], $0x7D00, $0x38;
	[tilespmem:$0x101D0] =	vst v63  }
0x38: {  	_ =	swait.ge [sflag:s12], $0x7D00  }
0x39: {  	s23 =	sshrl.u32 s20, $0x3;
	[sflag:s12] =	ssyncset.done $0x0  }
0x3a: {  	s23 =	sadd.s32 s4, s23;
	[sflag:s12] =	ssyncadd.s32 $0xFFFF8300  }
0x3b: {  	[tilespmem:s3], [sflag:$0x3] =	stream.linear.gather [hbm4b:s23+s3], $0x3E8, $0x38;
	[tilespmem:$0x101D0] =	vst v63  }
0x3c: {  	_ =	swait.ge [sflag:s12], $0x3E8  }
0x3d: {  	[sflag:s12] =	ssyncset.done $0x0  }
0x3e: {  	[sflag:s12] =	ssyncadd.s32 $0xFFFFFC18  }
0x3f: {  	[tilespmem:s14], [sflag:$0x1] =	stream.indirect.gather [hbm4b:s2+s13], $0x20, s3, s13, $0xb8;
	[tilespmem:$0x101D0] =	vst v63  }
0x40: {  	_ =	swait.ge [sflag:s17], $0x7D00  }
.Ltmp0:
0x41: {  	[sflag:s17] =	ssyncset.done $0x0;
	(pc) =	sbr.rel @p0 .LBB2_2-.Ltmp0, $4  }
0x42: {  	s22 =	sadd.s32 s22, s9;
	[sflag:s17] =	ssyncadd.s32 $0xFFFF8300  }
0x43: {  	[hbm4b:s22+s3] =	stream.linear.scatter [tilespmem:s15], [sflag:$0x3], $0x7D00, $0x38;
	[tilespmem:$0x101D0] =	vst v63  }
0x44: {  	_ =	swait.ge [sflag:s12], $0x7D00  }
0x45: {  	[sflag:s12] =	ssyncset.done $0x0  }
0x46: {  	[sflag:s12] =	ssyncadd.s32 $0xFFFF8300  }
0x47: {  	s18 =	sadd.s32 $0x1, s18;
	_ =	swait.ge [sflag:s16], $0x7D00  }
0x48: {  	p0 =	sne.s32 s18, s7;
	[sflag:s16] =	ssyncset.done $0x0  }
.Ltmp1:
0x49: {  	[sflag:s16] =	ssyncadd.s32 $0xFFFF8300;
	(pc) =	sbr.rel @p0 .LBB2_1-.Ltmp1, $4  }
0x4a: {  	[hbm4b:s6+s3] =	stream.linear.scatter [tilespmem:s14], [sflag:$0x3], $0x7D00, $0x38;
	[tilespmem:$0x101D0] =	vst v63  }
0x4b: {  	_ =	swait.ge [sflag:s12], $0x7D00  }
0x4c: {  	[sflag:s12] =	ssyncset.done $0x0  }
0x4d: {  	[sflag:s12] =	ssyncadd.s32 $0xFFFF8300  }
0x4e: {  	_ =	sfence.sel $0x180000  }
0x4f: {  	[bflag:$0x0] =	sbarrier.arrive $0xFFFF  }
0x50: {  	p0 =	sne.s32 s0, $0x0;
	_ =	strace $0x9000004A  }
0x51: {  	s0 =	sadd.s32 @!p0 $0x100000, s1;
	[bflag:$0x2] =	sbarrier.arrive $0xFFFF  }
0x52: {  	[sflag:s0] =	ssyncadd.tile.s32 @!p0 $0x1;
	_ =	shalt  }
.Lfunc_end2:
_tile_overlayer_lowered:
.L_overlay_start_2:
0x53: {  	(tag) =	ssettag $0x2  }
0x54: {  	s0 =	rddreg [dreg:$0x0];
	s2 =	stileid.u32  }
0x55: {  	s1 =	rddreg [dreg:$0x1];
	p0 =	sne.s32 s2, $0x0  }
0x56: {  	s3 =	rddreg [dreg:$0x2];
	[bflag:$0x3] =	sbarrier.arrive $0xFFFF;
	s2 =	simm.s32 @!p0 $0x1C03  }
0x57: {  	[timem:s3], [sflag:s2] =	dma.local @!p0 [hbm:s0], s1  }
0x58: {  	s0 =	simm.s32 @!p0 $0x3  }
0x59: {  	_ =	swait.ge @!p0 [sflag:s0], s1  }
0x5a: {  	s1 =	ssub.s32 @!p0 $0x0, s1;
	[sflag:s0] =	ssyncset.done @!p0 $0x0  }
0x5b: {  	[sflag:s0] =	ssyncadd.s32 @!p0 s1  }
0x5c: {  	[bflag:$0x3] =	sbarrier.arrive $0xFFFF  }
0x5d: {  	_ =	shalt  }

// kernel: kernel.7.cloned.1.call-start
scs
__scs_entry_jumppad:
0x0: {  	(pc) =	sbr.rel $0x88, $3  }
0x1: {  	(tag) =	ssettag $0x0;
	lr =	simm.s32 $0x1  }
0x2: {  	[smem:$0x3F97] =	sst lr;
	_ =	strace $0xD0000000  }
0x3: {  	_ = 	snop  }
0x4: {  	_ = 	snop  }
0x5: {  	_ = 	snop  }
0x6: {  	_ = 	snop  }
0x7: {  	_ = 	snop  }
__scs_overlays_trampoline_lowered:
0x8: {  	[smem:$0x3FA6] =	sst s0  }
0x9: {  	[smem:$0x3FA7] =	sst s1  }
0xa: {  	[smem:$0x3FA8] =	sst s2  }
0xb: {  	[smem:$0x3FA9] =	sst s3  }
0xc: {  	[smem:$0x3FAA] =	sst s4  }
0xd: {  	[smem:$0x3FAB] =	sst s5  }
0xe: {  	[smem:$0x3FAC] =	sst s6  }
0xf: {  	[smem:$0x3FAD] =	sst s7  }
0x10: {  	[smem:$0x3FAE] =	sst s8  }
0x11: {  	[smem:$0x3FAF] =	sst s9;
	s0 =	simm.s32 @!p0 $0x0  }
0x12: {  	s1 =	sld [smem:$0x3F95];
	s0 =	simm.s32 @p0 $0x1  }
0x13: {  	[smem:$0x3FB0] =	sst s0;
	s0 =	simm.s32 @!p1 $0x0  }
0x14: {  	s2 =	sld [smem:$0x3F94];
	s0 =	simm.s32 @p1 $0x1  }
0x15: {  	[smem:$0x3FB1] =	sst s0;
	s0 =	simm.s32 @!p2 $0x0  }
0x16: {  	s3 =	sld [smem:$0x3FDB];
	s0 =	simm.s32 @p2 $0x1  }
0x17: {  	s4 =	simm.s32 $0x1BF5;
	[smem:$0x3FB3] =	sst s0  }
0x18: {  	s0 =	sld [smem:$0x3F96];
	_ =	swait.ge [sflag:s4], $0x0  }
0x19: {  	s7 =	sld [smem:$0x3F97]  }
0x1a: {  	s8 =	sadd.s32 $0xFFFFE003, lr  }
0x1b: {  	s9 =	sadd.s32 $0xFFFFFEF7, lr;
	s5 =	simm.s32 $0xFFFFFFFF;
	p2 =	slt.u32 s8, $0xFFFFF086  }
0x1c: {  	p1 =	slt.u32 s9, $0xF7A;
	s5 =	simm.s32 @!p2 $0x0  }
0x1d: {  	s5 =	simm.s32 @p1 $0x1;
	p0 =	seq.s32 s7, s2  }
0x1e: {  	s7 =	smul.u32 @!p0 $0xF7A, s2;
	p2 =	seq.s32 @!p0 s5, $0x0  }
0x1f: {  	s9 =	smul.u32 $0xF7A, s1;
	s8 =	simm.s32 @!p0 $0x1BF5;
	p2 =	por !p2, p0  }
0x20: {  	[sflag:s8] =	ssyncset.s32 @!p0 $0xFFFFF086;
	s6 =	sadd.s32 @!p0 s3, s7;
	s7 =	simm.s32 @!p0 $0x108  }
0x21: {  	s3 =	sadd.s32 s3, s9;
	s6 =	sadd.s32 @!p0 $0x88, s6;
	s7 =	simm.s32 @p2 $0x1082  }
0x22: {  	[simem:s7], [sflag:s8] =	dma.local @!p0 [hbm:s6], $0xF7A  }
0x23: {  	s9 =	sor.u32 $0xD0000000, s2;
	s6 =	simm.s32 $0x108;
	_ =	swait.ge @!p0 [sflag:s8], $0x0  }
0x24: {  	s3 =	sadd.s32 $0x88, s3;
	s6 =	simm.s32 @!p1 $0x1082;
	[sflag:s4] =	ssyncset.s32 $0xFFFFF086  }
0x25: {  	[simem:s6], [sflag:s4] =	dma.local [hbm:s3], $0xF7A  }
0x26: {  	[smem:$0x3F97] =	sst s1;
	(tag) =	ssettag s2;
	_ =	strace s9  }
0x27: {  	s1 =	sld [smem:$0x3FA7]  }
0x28: {  	s2 =	sld [smem:$0x3FA8]  }
0x29: {  	s4 =	sld [smem:$0x3FAA]  }
0x2a: {  	p0 =	seq.s32 s5, $0x0;
	s5 =	sld [smem:$0x3FAB]  }
0x2b: {  	s6 =	sld [smem:$0x3FAC]  }
0x2c: {  	s7 =	sld [smem:$0x3FAD]  }
0x2d: {  	s3 =	simm.s32 $0x108;
	s8 =	sld [smem:$0x3FAE]  }
0x2e: {  	s3 =	simm.s32 @!p0 $0x1082;
	s9 =	sld [smem:$0x3FAF]  }
0x2f: {  	lr =	sadd.s32 s0, s3;
	s0 =	sld [smem:$0x3FA6]  }
0x30: {  	s3 =	sld [smem:$0x3FA9]  }
0x31: {  	[smem:$0x3FB2] =	sst s10  }
0x32: {  	s10 =	sld [smem:$0x3FB0];
	_ =	sdelay $0x3  }
0x33: {  	p0 =	seq.s32 s10, $0x1;
	s10 =	sld [smem:$0x3FB2];
	_ =	sdelay $0x3  }
0x34: {  	[smem:$0x3FB2] =	sst s10  }
0x35: {  	s10 =	sld [smem:$0x3FB1];
	_ =	sdelay $0x3  }
0x36: {  	p1 =	seq.s32 s10, $0x1;
	s10 =	sld [smem:$0x3FB2];
	_ =	sdelay $0x3  }
0x37: {  	[smem:$0x3FB2] =	sst s10  }
0x38: {  	s10 =	sld [smem:$0x3FB3]  }
0x39: {  	_ = 	snop;
	(pc) =	sbr.ind lr, $3  }
0x3a: {  	_ = 	snop  }
0x3b: {  	_ = 	snop  }
0x3c: {  	p2 =	seq.s32 s10, $0x1;
	s10 =	sld [smem:$0x3FB2]  }
0x3d: {  	_ =	shalt  }
0x3e: {  	_ =	shalt  }
0x3f: {  	_ =	shalt  }
0x40: {  	_ =	shalt  }
0x41: {  	_ =	shalt  }
0x42: {  	_ =	shalt  }
0x43: {  	_ =	shalt  }
0x44: {  	_ =	shalt  }
0x45: {  	_ =	shalt  }
0x46: {  	_ =	shalt  }
0x47: {  	_ =	shalt  }
0x48: {  	_ =	shalt  }
0x49: {  	_ =	shalt  }
0x4a: {  	_ =	shalt  }
0x4b: {  	_ =	shalt  }
0x4c: {  	_ =	shalt  }
0x4d: {  	_ =	shalt  }
0x4e: {  	_ =	shalt  }
0x4f: {  	_ =	shalt  }
0x50: {  	_ =	shalt  }
0x51: {  	_ =	shalt  }
0x52: {  	_ =	shalt  }
0x53: {  	_ =	shalt  }
0x54: {  	_ =	shalt  }
0x55: {  	_ =	shalt  }
0x56: {  	_ =	shalt  }
0x57: {  	_ =	shalt  }
0x58: {  	_ =	shalt  }
0x59: {  	_ =	shalt  }
0x5a: {  	_ =	shalt  }
0x5b: {  	_ =	shalt  }
0x5c: {  	_ =	shalt  }
0x5d: {  	_ =	shalt  }
0x5e: {  	_ =	shalt  }
0x5f: {  	_ =	shalt  }
0x60: {  	_ =	shalt  }
0x61: {  	_ =	shalt  }
0x62: {  	_ =	shalt  }
0x63: {  	_ =	shalt  }
0x64: {  	_ =	shalt  }
0x65: {  	_ =	shalt  }
0x66: {  	_ =	shalt  }
0x67: {  	_ =	shalt  }
0x68: {  	_ =	shalt  }
0x69: {  	_ =	shalt  }
0x6a: {  	_ =	shalt  }
0x6b: {  	_ =	shalt  }
0x6c: {  	_ =	shalt  }
0x6d: {  	_ =	shalt  }
0x6e: {  	_ =	shalt  }
0x6f: {  	_ =	shalt  }
0x70: {  	_ =	shalt  }
0x71: {  	_ =	shalt  }
0x72: {  	_ =	shalt  }
0x73: {  	_ =	shalt  }
0x74: {  	_ =	shalt  }
0x75: {  	_ =	shalt  }
0x76: {  	_ =	shalt  }
0x77: {  	_ =	shalt  }
0x78: {  	_ =	shalt  }
0x79: {  	_ =	shalt  }
0x7a: {  	_ =	shalt  }
0x7b: {  	_ =	shalt  }
0x7c: {  	_ =	shalt  }
0x7d: {  	_ =	shalt  }
0x7e: {  	_ =	shalt  }
0x7f: {  	_ =	shalt  }
0x80: {  	_ =	shalt  }
0x81: {  	_ =	shalt  }
0x82: {  	_ =	shalt  }
0x83: {  	_ =	shalt  }
0x84: {  	_ =	shalt  }
0x85: {  	_ =	shalt  }
0x86: {  	_ =	shalt  }
0x87: {  	_ =	shalt  }
.Lfunc_end0:
.L_simem_size_0:
called_computation_lowered:
.L_overlay_start_0:
0x88: {  	s2 =	sld [smem:$0x3FD9]  }
0x89: {  	s3 =	sld [smem:$0x3FFE];
	_ =	sdelay $0x1  }
0x8a: {  	s1 =	srdreg.scid  }
0x8b: {  	s0 =	sand.u32 $0x1, s1  }
0x8c: {  	s17 =	sshll.u32 s0, $0xA;
	s2 =	sadd.s32 s3, s2  }
0x8d: {  	s2 =	sadd.s32 s2, s17  }
0x8e: {  	[smem:$0x3FBE] =	sst s2  }
0x8f: {  	_ = 	snop  }
0x90: {  	s2 =	sld [smem:$0x3FD0];
	(tm) =	ssettm $0x1  }
0x91: {  	s18 =	sld [smem:$0x3FFB];
	_ =	sdelay $0x3  }
0x92: {  	_ =	strace s18  }
0x93: {  	s3 =	sld [smem:$0x3FFC];
	_ =	sdelay $0x3  }
0x94: {  	_ =	strace s3  }
0x95: {  	s3 =	sld [smem:$0x3FFD];
	_ =	sdelay $0x3  }
0x96: {  	_ =	strace s3  }
0x97: {  	_ =	strace $0x8FFFFFFF  }
0x98: {  	s19 =	sld [smem:$0x3FDB];
	_ =	sdelay $0x1  }
0x99: {  	s4 =	simm.s32 $_scs_section_size  }
0x9a: {  	s5 =	simm.s32 $_size__tile_overlayer_lowered;
	s6 =	simm.s32 $_tile_overlayer_lowered  }
0x9b: {  	s22 =	simm.s32 $0x1BFF;
	s21 =	sshll.u32 s6, $0x1;
	s3 =	sadd.s32 s4, s19  }
0x9c: {  	s7 =	simm.s32 $0x0;
	s20 =	sshll.u32 s5, $0x1;
	s5 =	sadd.s32 s21, s3  }
0x9d: {  	[timem:s7], [sflag:s22] =	dma.local [hbm:s5], s20  }
0x9e: {  	_ =	swait.ge [sflag:s22], s20  }
0x9f: {  	s4 =	ssub.s32 $0x0, s20;
	[sflag:s22] =	ssyncset.done $0x0  }
0xa0: {  	[sflag:s22] =	ssyncadd.s32 s4;
	_ =	sdelay $0x1  }
0xa1: {  	s23 =	simm.s32 $0x1B8B  }
0xa2: {  	_ =	swait.ge [sflag:s23], $0x1  }
0xa3: {  	[sflag:s23] =	ssyncset.done $0x0  }
0xa4: {  	s25 =	simm.s32 $0x1B8E;
	s24 =	sld [smem:$0x3FFE];
	[sflag:s23] =	ssyncadd.s32 $0xFFFFFFFF  }
0xa5: {  	s26 =	simm.s32 $execute0_lowered;
	[smem:$0x3FD2] =	sst s25  }
0xa6: {  	s5 =	sshll.u32 s26, $0x1;
	_ =	strace $0x80000046;
	[dreg:$0x1] =	wrdreg $0xFFFFFFFF  }
0xa7: {  	s28 =	simm.s32 $_size_execute0_lowered;
	s3 =	sadd.s32 s3, s5;
	[dreg:$0x0] =	wrdreg $0x0  }
0xa8: {  	s5 =	sshll.u32 s28, $0x1;
	[dreg:$0x2] =	wrdreg s3  }
0xa9: {  	[dreg:$0x3] =	wrdreg s5  }
0xaa: {  	[dreg:$0x4] =	wrdreg $0xC0  }
0xab: {  	_ =	task [dreg:s7], $0x5FFFF  }
0xac: {  	[dreg:$0x1] =	wrdreg $0xFFFFFFFF  }
0xad: {  	[dreg:$0x0] =	wrdreg $0x60  }
0xae: {  	[dreg:$0x2] =	wrdreg s24  }
0xaf: {  	[dreg:$0x3] =	wrdreg s2  }
0xb0: {  	[dreg:$0x4] =	wrdreg $0x9  }
0xb1: {  	_ =	task.clear_ibuf [dreg:s7], $0x5FFFF;
	_ =	strace $0x90000046  }
0xb2: {  	s29 =	simm.s32 $0x9;
	_ =	strace $0x80000048  }
0xb3: {  	_ =	swait.ge [sflag:s29], $0x1  }
0xb4: {  	[sflag:s29] =	ssyncadd.s32 $0xFFFFFFFF  }
0xb5: {  	_ =	strace $0x90000048  }
0xb6: {  	_ =	sfence  }
0xb7: {  	s30 =	sld [smem:$0x0];
	_ =	sdelay $0x2  }
0xb8: {  	s31 =	sshll.u32 s1, $0xD;
	s1 =	sshrl.u32 s1, $0x2  }
0xb9: {  	s3 =	sand.u32 $0x4000, s31;
	s1 =	sadd.s32 s1, s30  }
0xba: {  	s0 =	sor.u32 s3, s0;
	s1 =	sshll.u32 s1, $0x11  }
0xbb: {  	s0 =	sor.u32 s1, s0  }
0xbc: {  	s0 =	sadd.s32 $0x8F2B, s0  }
0xbd: {  	[sflag:s0] =	ssyncadd.remote.s32 $0x1  }
0xbe: {  	_ =	sfence.sel $0xFFFF  }
0xbf: {  	[dreg:$0x0] =	wrdreg $0xFFFFFFFF;
	(pc) =	sbr.abs _section_cstart, $3  }
0xc0: {  	[dreg:$0x1] =	wrdreg $0xFFFFFFFF  }
0xc1: {  	_ =	task.clear_ibuf [dreg:s7], $0x2FFFF;
	_ =	strace $0x9FFFFFFF  }
0xc2: {  	(tm) =	ssettm $0x7FFFFFFF  }
0xc3: {  	_ =	shalt  }
tec
execute0_lowered:
.L_overlay_start_1:
0x0: {  	(tag) =	ssettag $0x1  }
0x1: {  	s1 =	srdreg.scid;
	s5 =	rddreg [dreg:$0x0]  }
0x2: {  	s0 =	stileid.u32;
	s2 =	rddreg [dreg:$0x1];
	s3 =	simm.s32 $0x0  }
0x3: {  	s15 =	simm.s32 $0x4650;
	s16 =	simm.s32 $0x1;
	s17 =	simm.s32 $0x2  }
0x4: {  	s18 =	simm.s32 $0x0;
	s8 =	sand.u32 $0x1, s1;
	s10 =	smul.u32 $0xC350, s0  }
0x5: {  	s24 =	sshll.u32 s0, $0x1;
	s1 =	rddreg [dreg:$0x2];
	s30 =	smul.u32 $0x186A0, s0  }
0x6: {  	[smem:$0x7FF] =	sst s3;
	s13 =	sadd.s32 $0xDEA00, s5;
	s12 =	smul.u32 $0x61A8, s8  }
0x7: {  	s4 =	sor.u32 s8, s24;
	s9 =	ssub.s32 $0x2, s8;
	s14 =	smul.u32 $0xC350, s8  }
0x8: {  	_ =	strace $0x80000047;
	s6 =	smul.u32 $0x61A8, s4;
	s11 =	sshrl.u32 s9, $0x1  }
0x9: {  	s7 =	smul.u32 $0x61A80, s4;
	s4 =	sadd.s32 $0xC6200, s5;
	s9 =	ssub.s32 s9, s11  }
0xa: {  	s10 =	sadd.s32 s12, s10;
	s12 =	sadd.s32 s30, s13;
	s25 =	sshrl.u32 s6, $0x3  }
0xb: {  	s26 =	sshrl.u32 s7, $0x3;
	s28 =	sadd.s32 $0x3E8, s10;
	s7 =	smax.u32 s9, $0x1  }
0xc: {  	s8 =	sadd.s32 $0x7D0, s10;
	s11 =	sadd.s32 s14, s12;
	s12 =	simm.s32 $0x3  }
0xd: {  	s14 =	simm.s32 $0x7D0;
	s6 =	sadd.s32 s13, s26;
	s29 =	sshrl.u32 s28, $0x3  }
0xe: {  	s5 =	sadd.s32 s4, s25;
	s6 =	sadd.s32 $0xBB80, s6;
	s31 =	sshll.u32 s29, $0x4  }
0xf: {  	s10 =	sadd.s32 s29, s4;
	s9 =	sadd.s32 s31, s13;
	s13 =	simm.s32 $0x3E8  }
.LBB2_1:
0x10: {  	[tilespmem:s3], [sflag:$0x3] =	stream.linear.gather [hbm4b:s5+s3], $0x3E8, $0x38;
	[tilespmem:$0x84D0] =	vst v63  }
0x11: {  	_ =	swait.ge [sflag:s12], $0x3E8  }
0x12: {  	[sflag:s12] =	ssyncset.done $0x0  }
0x13: {  	[sflag:s12] =	ssyncadd.s32 $0xFFFFFC18  }
0x14: {  	[tilespmem:s14], [sflag:$0x1] =	stream.indirect.gather [hbm4b:s2+s13], $0x10, s3, s13, $0xb8;
	[tilespmem:$0x84D0] =	vst v63  }
0x15: {  	_ = 	snop  }
0x16: {  	[tilespmem:s13], [sflag:$0x3] =	stream.linear.gather [hbm4b:s10+s3], $0x3E8, $0x38;
	[tilespmem:$0x84D0] =	vst v63  }
0x17: {  	_ =	swait.ge [sflag:s12], $0x3E8  }
0x18: {  	[sflag:s12] =	ssyncset.done $0x0  }
0x19: {  	[sflag:s12] =	ssyncadd.s32 $0xFFFFFC18  }
0x1a: {  	[tilespmem:s15], [sflag:$0x2] =	stream.indirect.gather [hbm4b:s2+s13], $0x10, s13, s13, $0xb8;
	[tilespmem:$0x84D0] =	vst v63  }
0x1b: {  	_ =	swait.ge [sflag:s16], $0x3E80  }
0x1c: {  	[sflag:s16] =	ssyncset.done $0x0  }
0x1d: {  	s19 =	sadd.s32 $0x0, s11;
	[sflag:s16] =	ssyncadd.s32 $0xFFFFC180  }
0x1e: {  	[hbm4b:s19+s3] =	stream.linear.scatter [tilespmem:s14], [sflag:$0x3], $0x3E80, $0x38;
	[tilespmem:$0x84D0] =	vst v63  }
0x1f: {  	_ =	swait.ge [sflag:s12], $0x3E80  }
0x20: {  	s30 =	sshrl.u32 s8, $0x3;
	[sflag:s12] =	ssyncset.done $0x0  }
0x21: {  	s19 =	sadd.s32 s4, s30;
	[sflag:s12] =	ssyncadd.s32 $0xFFFFC180  }
0x22: {  	[tilespmem:s3], [sflag:$0x3] =	stream.linear.gather [hbm4b:s19+s3], $0x3E8, $0x38;
	[tilespmem:$0x84D0] =	vst v63  }
0x23: {  	_ =	swait.ge [sflag:s12], $0x3E8  }
0x24: {  	[sflag:s12] =	ssyncset.done $0x0  }
0x25: {  	[sflag:s12] =	ssyncadd.s32 $0xFFFFFC18  }
0x26: {  	[tilespmem:s14], [sflag:$0x1] =	stream.indirect.gather [hbm4b:s2+s13], $0x10, s3, s13, $0xb8;
	[tilespmem:$0x84D0] =	vst v63  }
0x27: {  	_ =	swait.ge [sflag:s17], $0x3E80  }
0x28: {  	[sflag:s17] =	ssyncset.done $0x0  }
0x29: {  	s31 =	sadd.s32 $0x0, s9;
	[sflag:s17] =	ssyncadd.s32 $0xFFFFC180  }
0x2a: {  	[hbm4b:s31+s3] =	stream.linear.scatter [tilespmem:s15], [sflag:$0x3], $0x3E80, $0x38;
	[tilespmem:$0x84D0] =	vst v63  }
0x2b: {  	s20 =	smov.u32 s8;
	_ =	swait.ge [sflag:s12], $0x3E80  }
0x2c: {  	s21 =	smov.u32 s10;
	s19 =	simm.s32 $0xFA0;
	[sflag:s12] =	ssyncset.done $0x0  }
.LBB2_2:
0x2d: {  	[sflag:s12] =	ssyncadd.s32 $0xFFFFC180  }
0x2e: {  	s20 =	sadd.s32 $0x7D0, s20;
	s21 =	sadd.s32 $0xFA, s21;
	s22 =	smov.u32 s19  }
0x2f: {  	[tilespmem:s13], [sflag:$0x3] =	stream.linear.gather [hbm4b:s21+s3], $0x3E8, $0x38;
	[tilespmem:$0x84D0] =	vst v63  }
0x30: {  	p0 =	sne.s32 s19, $0xABE0;
	s19 =	sadd.s32 $0xFA0, s19;
	_ =	swait.ge [sflag:s12], $0x3E8  }
0x31: {  	[sflag:s12] =	ssyncset.done $0x0  }
0x32: {  	[sflag:s12] =	ssyncadd.s32 $0xFFFFFC18  }
0x33: {  	[tilespmem:s15], [sflag:$0x2] =	stream.indirect.gather [hbm4b:s2+s13], $0x10, s13, s13, $0xb8;
	[tilespmem:$0x84D0] =	vst v63  }
0x34: {  	_ =	swait.ge [sflag:s16], $0x3E80  }
0x35: {  	[sflag:s16] =	ssyncset.done $0x0  }
0x36: {  	s23 =	sadd.s32 s22, s11;
	[sflag:s16] =	ssyncadd.s32 $0xFFFFC180  }
0x37: {  	[hbm4b:s23+s3] =	stream.linear.scatter [tilespmem:s14], [sflag:$0x3], $0x3E80, $0x38;
	[tilespmem:$0x84D0] =	vst v63  }
0x38: {  	_ =	swait.ge [sflag:s12], $0x3E80  }
0x39: {  	s23 =	sshrl.u32 s20, $0x3;
	[sflag:s12] =	ssyncset.done $0x0  }
0x3a: {  	s23 =	sadd.s32 s4, s23;
	[sflag:s12] =	ssyncadd.s32 $0xFFFFC180  }
0x3b: {  	[tilespmem:s3], [sflag:$0x3] =	stream.linear.gather [hbm4b:s23+s3], $0x3E8, $0x38;
	[tilespmem:$0x84D0] =	vst v63  }
0x3c: {  	_ =	swait.ge [sflag:s12], $0x3E8  }
0x3d: {  	[sflag:s12] =	ssyncset.done $0x0  }
0x3e: {  	[sflag:s12] =	ssyncadd.s32 $0xFFFFFC18  }
0x3f: {  	[tilespmem:s14], [sflag:$0x1] =	stream.indirect.gather [hbm4b:s2+s13], $0x10, s3, s13, $0xb8;
	[tilespmem:$0x84D0] =	vst v63  }
0x40: {  	_ =	swait.ge [sflag:s17], $0x3E80  }
.Ltmp0:
0x41: {  	[sflag:s17] =	ssyncset.done $0x0;
	(pc) =	sbr.rel @p0 .LBB2_2-.Ltmp0, $4  }
0x42: {  	s22 =	sadd.s32 s22, s9;
	[sflag:s17] =	ssyncadd.s32 $0xFFFFC180  }
0x43: {  	[hbm4b:s22+s3] =	stream.linear.scatter [tilespmem:s15], [sflag:$0x3], $0x3E80, $0x38;
	[tilespmem:$0x84D0] =	vst v63  }
0x44: {  	_ =	swait.ge [sflag:s12], $0x3E80  }
0x45: {  	[sflag:s12] =	ssyncset.done $0x0  }
0x46: {  	[sflag:s12] =	ssyncadd.s32 $0xFFFFC180  }
0x47: {  	s18 =	sadd.s32 $0x1, s18;
	_ =	swait.ge [sflag:s16], $0x3E80  }
0x48: {  	p0 =	sne.s32 s18, s7;
	[sflag:s16] =	ssyncset.done $0x0  }
.Ltmp1:
0x49: {  	[sflag:s16] =	ssyncadd.s32 $0xFFFFC180;
	(pc) =	sbr.rel @p0 .LBB2_1-.Ltmp1, $4  }
0x4a: {  	[hbm4b:s6+s3] =	stream.linear.scatter [tilespmem:s14], [sflag:$0x3], $0x3E80, $0x38;
	[tilespmem:$0x84D0] =	vst v63  }
0x4b: {  	_ =	swait.ge [sflag:s12], $0x3E80  }
0x4c: {  	[sflag:s12] =	ssyncset.done $0x0  }
0x4d: {  	[sflag:s12] =	ssyncadd.s32 $0xFFFFC180  }
0x4e: {  	_ =	sfence.sel $0x180000  }
0x4f: {  	[bflag:$0x0] =	sbarrier.arrive $0xFFFF  }
0x50: {  	p0 =	sne.s32 s0, $0x0;
	_ =	strace $0x90000047  }
0x51: {  	s0 =	sadd.s32 @!p0 $0x100000, s1;
	[bflag:$0x2] =	sbarrier.arrive $0xFFFF  }
0x52: {  	[sflag:s0] =	ssyncadd.tile.s32 @!p0 $0x1;
	_ =	shalt  }
.Lfunc_end2:
_tile_overlayer_lowered:
.L_overlay_start_2:
0x53: {  	(tag) =	ssettag $0x2  }
0x54: {  	s0 =	rddreg [dreg:$0x0];
	s2 =	stileid.u32  }
0x55: {  	s1 =	rddreg [dreg:$0x1];
	p0 =	sne.s32 s2, $0x0  }
0x56: {  	s3 =	rddreg [dreg:$0x2];
	[bflag:$0x3] =	sbarrier.arrive $0xFFFF;
	s2 =	simm.s32 @!p0 $0x1C03  }
0x57: {  	[timem:s3], [sflag:s2] =	dma.local @!p0 [hbm:s0], s1  }
0x58: {  	s0 =	simm.s32 @!p0 $0x3  }
0x59: {  	_ =	swait.ge @!p0 [sflag:s0], s1  }
0x5a: {  	s1 =	ssub.s32 @!p0 $0x0, s1;
	[sflag:s0] =	ssyncset.done @!p0 $0x0  }
0x5b: {  	[sflag:s0] =	ssyncadd.s32 @!p0 s1  }
0x5c: {  	[bflag:$0x3] =	sbarrier.arrive $0xFFFF  }
0x5d: {  	_ =	shalt  }

</sc_bundles>
